<compile_context>
chip_gen: v7x
topology: tpu7x:2x2x1
jax: 0.10.2.dev20260603
libtpu: 0.0.44.dev20260713+nightly
codegen_flags: <defaults>
</compile_context>

<pallas_src>
import functools

import jax
import jax.numpy as jnp
from jax import lax
from jax.experimental import pallas as pl
from jax.experimental.pallas import tpu as pltpu
from jax.experimental.pallas import tpu_sc as plsc

B, Q, T, H, W, P = 4, 300, 100, 128, 128, 12544
HW = H * W
NTILES = 32
TILES_PER_B = NTILES // B
IMGS_PER_B = Q + T
IMGS_PER_TILE = IMGS_PER_B // TILES_PER_B
LANES = 16
STEPS = P // LANES
PBLK = 1792
NPBLK = P // PBLK
VREGS_PER_BLK = PBLK // 128


def _prep_body(cx_ref, cy_ref, ipk_ref, w00_ref, w01_ref, w10_ref,
               w11_ref):
    cx = cx_ref[...]
    cy = cy_ref[...]
    gx = 2.0 * cx - 1.0
    gy = 2.0 * cy - 1.0
    x = ((gx + 1.0) * W - 1.0) / 2.0
    y = ((gy + 1.0) * H - 1.0) / 2.0
    x0 = jnp.floor(x)
    y0 = jnp.floor(y)
    x1 = x0 + 1.0
    y1 = y0 + 1.0
    wx1 = x - x0
    wx0 = 1.0 - wx1
    wy1 = y - y0
    wy0 = 1.0 - wy1

    def vmask(xi, yi):
        v = (xi >= 0) & (xi <= W - 1) & (yi >= 0) & (yi <= H - 1)
        return v.astype(jnp.float32)

    xc0 = jnp.clip(x0, 0, W - 1).astype(jnp.int32)
    xc1 = jnp.clip(x1, 0, W - 1).astype(jnp.int32)
    yc0 = jnp.clip(y0, 0, H - 1).astype(jnp.int32)
    yc1 = jnp.clip(y1, 0, H - 1).astype(jnp.int32)

    i00 = yc0 * W + xc0
    dx = xc1 - xc0
    dy = yc1 - yc0
    ipk_ref[...] = i00 | (dx << 14) | (dy << 15)
    w00_ref[...] = (wy0 * wx0) * vmask(x0, y0)
    w01_ref[...] = (wy0 * wx1) * vmask(x1, y0)
    w10_ref[...] = (wy1 * wx0) * vmask(x0, y1)
    w11_ref[...] = (wy1 * wx1) * vmask(x1, y1)


def _prep(cx, cy):
    out = (
        jax.ShapeDtypeStruct((B, P), jnp.int32),
        jax.ShapeDtypeStruct((B, P), jnp.float32),
        jax.ShapeDtypeStruct((B, P), jnp.float32),
        jax.ShapeDtypeStruct((B, P), jnp.float32),
        jax.ShapeDtypeStruct((B, P), jnp.float32),
    )
    return pl.pallas_call(_prep_body, out_shape=out)(cx, cy)


def _sc_body(predflat, tgtflat, ipk_h, w00_h, w01_h, w10_h, w11_h,
             outp, outt, ipk_v, w00_v, w01_v, w10_v, w11_v, img_a, img_b,
             out_a, out_b, sem_ia, sem_ib, sem_oa, sem_ob):
    wid = lax.axis_index("c") * 16 + lax.axis_index("s")
    b = wid // TILES_PER_B
    t8 = wid % TILES_PER_B
    g0 = t8 * IMGS_PER_TILE

    pltpu.sync_copy(ipk_h.at[b], ipk_v)
    pltpu.sync_copy(w00_h.at[b], w00_v)
    pltpu.sync_copy(w01_h.at[b], w01_v)
    pltpu.sync_copy(w10_h.at[b], w10_v)
    pltpu.sync_copy(w11_h.at[b], w11_v)

    def start_img(g, img_v, sem):
        is_pred = g < Q

        @pl.when(is_pred)
        def _():
            pltpu.async_copy(predflat.at[b * Q + g], img_v, sem)

        @pl.when(jnp.logical_not(is_pred))
        def _():
            pltpu.async_copy(tgtflat.at[b * T + (g - Q)], img_v, sem)

    def wait_img(img_v, sem):
        pltpu.make_async_copy(predflat.at[0], img_v, sem).wait()

    def start_out(g, out_v, sem):
        is_pred = g < Q

        @pl.when(is_pred)
        def _():
            pltpu.async_copy(out_v, outp.at[b * Q + g], sem)

        @pl.when(jnp.logical_not(is_pred))
        def _():
            pltpu.async_copy(out_v, outt.at[b * T + (g - Q)], sem)

    def wait_out(out_v, sem):
        pltpu.make_async_copy(out_v, outp.at[0], sem).wait()

    def compute_pair():
        @plsc.parallel_loop(0, P, LANES, unroll=4)
        def _(i):
            sl = pl.ds(i, LANES)
            ipk = ipk_v[sl]
            i00 = ipk & 0x3FFF
            dx = lax.shift_right_logical(ipk, 14) & 1
            dy128 = (lax.shift_right_logical(ipk, 15) & 1) << 7
            i01 = i00 + dx
            i10 = i00 + dy128
            i11 = i10 + dx
            w00 = w00_v[sl]
            w01 = w01_v[sl]
            w10 = w10_v[sl]
            w11 = w11_v[sl]
            aA = plsc.load_gather(img_a, [i00])
            aB = plsc.load_gather(img_a, [i01])
            aC = plsc.load_gather(img_a, [i10])
            aD = plsc.load_gather(img_a, [i11])
            out_a[sl] = ((aA * w00 + aB * w01) + aC * w10) + aD * w11
            bA = plsc.load_gather(img_b, [i00])
            bB = plsc.load_gather(img_b, [i01])
            bC = plsc.load_gather(img_b, [i10])
            bD = plsc.load_gather(img_b, [i11])
            out_b[sl] = ((bA * w00 + bB * w01) + bC * w10) + bD * w11

    start_img(g0, img_a, sem_ia)
    start_img(g0 + 1, img_b, sem_ib)

    def pair(j, carry):
        ga = g0 + 2 * j
        wait_img(img_a, sem_ia)
        wait_img(img_b, sem_ib)

        @pl.when(j > 0)
        def _():
            wait_out(out_a, sem_oa)
            wait_out(out_b, sem_ob)

        compute_pair()
        start_out(ga, out_a, sem_oa)
        start_out(ga + 1, out_b, sem_ob)

        @pl.when(j < IMGS_PER_TILE // 2 - 1)
        def _():
            start_img(ga + 2, img_a, sem_ia)
            start_img(ga + 3, img_b, sem_ib)

        return carry

    lax.fori_loop(0, IMGS_PER_TILE // 2, pair, 0, unroll=False)
    wait_out(out_a, sem_oa)
    wait_out(out_b, sem_ob)


def _sc_sample(predflat, tgtflat, ipk, w00, w01, w10, w11):
    mesh = plsc.VectorSubcoreMesh(core_axis_name="c", subcore_axis_name="s")
    fn = pl.kernel(
        _sc_body,
        out_type=(
            jax.ShapeDtypeStruct((B * Q, P), jnp.float32),
            jax.ShapeDtypeStruct((B * T, P), jnp.float32),
        ),
        mesh=mesh,
        compiler_params=pltpu.CompilerParams(needs_layout_passes=False),
        scratch_types=[
            pltpu.VMEM((P,), jnp.int32),
            pltpu.VMEM((P,), jnp.float32),
            pltpu.VMEM((P,), jnp.float32),
            pltpu.VMEM((P,), jnp.float32),
            pltpu.VMEM((P,), jnp.float32),
            pltpu.VMEM((HW,), jnp.float32),
            pltpu.VMEM((HW,), jnp.float32),
            pltpu.VMEM((P,), jnp.float32),
            pltpu.VMEM((P,), jnp.float32),
            pltpu.SemaphoreType.DMA,
            pltpu.SemaphoreType.DMA,
            pltpu.SemaphoreType.DMA,
            pltpu.SemaphoreType.DMA,
        ],
    )
    return fn(predflat, tgtflat, ipk, w00, w01, w10, w11)


def _cost_body(pred_ref, tgt_ref, minv_ref, mini_ref, num_acc, ssum_acc,
               tsum_acc):
    pj = pl.program_id(1)

    @pl.when(pj == 0)
    def _():
        num_acc[...] = jnp.zeros_like(num_acc)
        ssum_acc[...] = jnp.zeros_like(ssum_acc)
        tsum_acc[...] = jnp.zeros_like(tsum_acc)

    sig = 1.0 / (1.0 + jnp.exp(-pred_ref[0]))
    tgt = tgt_ref[0]
    num_acc[...] += lax.dot_general(
        sig.astype(jnp.bfloat16), tgt.astype(jnp.bfloat16),
        (((1,), (1,)), ((), ())),
        preferred_element_type=jnp.float32)
    s_part = ssum_acc[...]
    t_part = tsum_acc[...]
    for k in range(VREGS_PER_BLK):
        s_part = s_part + sig[:, k * 128:(k + 1) * 128]
        t_part = t_part + tgt[:, k * 128:(k + 1) * 128]
    ssum_acc[...] = s_part
    tsum_acc[...] = t_part

    @pl.when(pj == NPBLK - 1)
    def _():
        num = num_acc[...]
        ssum = jnp.sum(ssum_acc[...], axis=1)
        tsum = jnp.sum(tsum_acc[...], axis=1)
        den = ssum[:, None] + tsum[None, :]
        cost = 1.0 - (2.0 * num + 1.0) / (den + 1.0)
        minv = jnp.min(cost, axis=1)
        iota = lax.broadcasted_iota(jnp.int32, (Q, T), 1)
        mini = jnp.min(jnp.where(cost == minv[:, None], iota, T), axis=1)
        minv_ref[0, 0] = minv
        mini_ref[0, 0] = mini.astype(jnp.int32)


def _cost(sampled_pred, sampled_tgt):
    grid = (B, NPBLK)
    out = pl.pallas_call(
        _cost_body,
        grid=grid,
        in_specs=[
            pl.BlockSpec((1, Q, PBLK), lambda b, pj: (b, 0, pj)),
            pl.BlockSpec((1, T, PBLK), lambda b, pj: (b, 0, pj)),
        ],
        out_specs=[
            pl.BlockSpec((1, 1, Q), lambda b, pj: (b, 0, 0)),
            pl.BlockSpec((1, 1, Q), lambda b, pj: (b, 0, 0)),
        ],
        out_shape=[
            jax.ShapeDtypeStruct((B, 1, Q), jnp.float32),
            jax.ShapeDtypeStruct((B, 1, Q), jnp.int32),
        ],
        scratch_shapes=[
            pltpu.VMEM((Q, T), jnp.float32),
            pltpu.VMEM((Q, 128), jnp.float32),
            pltpu.VMEM((T, 128), jnp.float32),
        ],
        compiler_params=pltpu.CompilerParams(
            dimension_semantics=("arbitrary", "arbitrary")),
    )(sampled_pred, sampled_tgt)
    return out


def kernel(pred_logits, pred_masks, tgt_masks, point_coords):
    del pred_logits
    cx = point_coords[..., 0]
    cy = point_coords[..., 1]
    ipk, w00, w01, w10, w11 = _prep(cx, cy)

    predflat = pred_masks.reshape(B * Q, HW)
    tgtflat = tgt_masks.reshape(B * T, HW)
    sp, st = _sc_sample(predflat, tgtflat, ipk, w00, w01, w10, w11)

    minv, mini = _cost(sp.reshape(B, Q, P), st.reshape(B, T, P))
    minv = minv.reshape(B, Q)
    mini = mini.reshape(B, Q)
    valid = minv < 0.4
    return minv, mini, valid

# --- scband reference (transcript-rebuilt; emitter-appended) ---
"""Pipeline reference for scband-label-assigner-21337397526849 (READ-ONLY COPY).

The authoritative reference and input builder live on the scoring server;
editing this copy changes nothing except your own understanding.
"""

import jax, jax.numpy as jnp
import numpy as np

B, Q, T, H, W, P = 4, 300, 100, 128, 128, 12544


def point_sample(masks, coords):
    # masks: [N, H, W]; coords: [P, 2] in [0, 1], coords[:,0]=x (width), coords[:,1]=y (height)
    # Equivalent to F.grid_sample(masks[:,None], 2*coords-1, align_corners=False, padding_mode='zeros')
    N, Hm, Wm = masks.shape
    gx = 2.0 * coords[:, 0] - 1.0
    gy = 2.0 * coords[:, 1] - 1.0
    x = ((gx + 1.0) * Wm - 1.0) / 2.0
    y = ((gy + 1.0) * Hm - 1.0) / 2.0
    x0 = jnp.floor(x); y0 = jnp.floor(y)
    x1 = x0 + 1.0; y1 = y0 + 1.0
    wx1 = x - x0; wx0 = 1.0 - wx1
    wy1 = y - y0; wy0 = 1.0 - wy1

    def gather(xi, yi):
        valid = (xi >= 0) & (xi <= Wm - 1) & (yi >= 0) & (yi <= Hm - 1)
        xc = jnp.clip(xi, 0, Wm - 1).astype(jnp.int32)
        yc = jnp.clip(yi, 0, Hm - 1).astype(jnp.int32)
        vals = masks[:, yc, xc]  # [N, P] gather
        return vals * valid.astype(masks.dtype)[None, :]

    out = (gather(x0, y0) * (wy0 * wx0)[None, :]
           + gather(x1, y0) * (wy0 * wx1)[None, :]
           + gather(x0, y1) * (wy1 * wx0)[None, :]
           + gather(x1, y1) * (wy1 * wx1)[None, :])
    return out  # [N, P]


def batch_dice_loss(inputs, targets):
    inputs = jax.nn.sigmoid(inputs)
    numerator = 2.0 * jnp.einsum('nc,mc->nm', inputs, targets)
    denominator = inputs.sum(-1)[:, None] + targets.sum(-1)[None, :]
    return 1.0 - (numerator + 1.0) / (denominator + 1.0)


def setup_inputs(seed: int = 0) -> dict:
    key = jax.random.key(seed)
    k1, k2, k3, k4 = jax.random.split(key, 4)
    pred_logits = jax.random.normal(k1, (B, Q, 81), dtype=jnp.float32)
    pred_masks = jax.random.normal(k2, (B, Q, H, W), dtype=jnp.float32)
    tgt_masks = jax.random.uniform(k3, (B, T, H, W), dtype=jnp.float32)
    point_coords = jax.random.uniform(k4, (B, P, 2), dtype=jnp.float32)
    return {"pred_logits": pred_logits, "pred_masks": pred_masks, "tgt_masks": tgt_masks, "point_coords": point_coords}


def reference(pred_logits, pred_masks, tgt_masks, point_coords):
    # pred_logits only determines (bs, num_queries) in the original module
    def per_batch(pm, tm, pc):
        out_pts = point_sample(pm, pc)   # [Q, P]
        tgt_pts = point_sample(tm, pc)   # [T, P]
        cost_dice = batch_dice_loss(out_pts.astype(jnp.float32), tgt_pts.astype(jnp.float32))  # [Q, T]
        min_val = cost_dice.min(axis=1)
        min_idx = jnp.argmin(cost_dice, axis=1).astype(jnp.int32)
        valid_query = min_val < 0.4
        return min_val, min_idx, valid_query

    min_val, min_idx, valid = jax.vmap(per_batch)(pred_masks, tgt_masks, point_coords)
    return min_val, min_idx, valid

if __name__ == "__main__":
    import jax
    _d = setup_inputs()
    print(jax.jit(kernel)(*tuple(_d.values())))

</pallas_src>

<mosaic_0001>
#map = affine_map<(d0, d1) -> (0, 0)>
module attributes {stable_mosaic.version = 14 : i64} {
  func.func @_sc_body(%arg0: i32, %arg1: i32, %arg2: memref<1200x16384xf32, #tpu.memory_space<hbm>>, %arg3: memref<400x16384xf32, #tpu.memory_space<hbm>>, %arg4: memref<4x12544xi32, #tpu.memory_space<hbm>>, %arg5: memref<4x12544xf32, #tpu.memory_space<hbm>>, %arg6: memref<4x12544xf32, #tpu.memory_space<hbm>>, %arg7: memref<4x12544xf32, #tpu.memory_space<hbm>>, %arg8: memref<4x12544xf32, #tpu.memory_space<hbm>>, %arg9: memref<1200x12544xf32, #tpu.memory_space<hbm>>, %arg10: memref<400x12544xf32, #tpu.memory_space<hbm>>, %arg11: memref<12544xi32, #tpu.memory_space<vmem>>, %arg12: memref<12544xf32, #tpu.memory_space<vmem>>, %arg13: memref<12544xf32, #tpu.memory_space<vmem>>, %arg14: memref<12544xf32, #tpu.memory_space<vmem>>, %arg15: memref<12544xf32, #tpu.memory_space<vmem>>, %arg16: memref<16384xf32, #tpu.memory_space<vmem>>, %arg17: memref<16384xf32, #tpu.memory_space<vmem>>, %arg18: memref<12544xf32, #tpu.memory_space<vmem>>, %arg19: memref<12544xf32, #tpu.memory_space<vmem>>, %arg20: memref<!tpu.dma_semaphore, #tpu.memory_space<semaphore_mem>>, %arg21: memref<!tpu.dma_semaphore, #tpu.memory_space<semaphore_mem>>, %arg22: memref<!tpu.dma_semaphore, #tpu.memory_space<semaphore_mem>>, %arg23: memref<!tpu.dma_semaphore, #tpu.memory_space<semaphore_mem>>) attributes {dimension_semantics = [#tpu.dimension_semantics<core_parallel>, #tpu.dimension_semantics<subcore_parallel>], iteration_bounds = array<i64: 2, 16>, scalar_prefetch = 0 : i64, scratch_operands = 13 : i64, tpu.core_type = #tpu.core_type<sc_vector_subcore>, window_params = [{transform_indices = #map}, {transform_indices = #map}, {transform_indices = #map}, {transform_indices = #map}, {transform_indices = #map}, {transform_indices = #map}, {transform_indices = #map}, {transform_indices = #map}, {transform_indices = #map}]} {
    %mul3A = arith.constant 16 : i32
    %mul3A_0 = arith.muli %arg0, %mul3A : i32
    %add3A = arith.addi %mul3A_0, %arg1 : i32
    %jit3A = arith.constant 8 : i32
    %div3A = arith.divsi %add3A, %jit3A : i32
    %sign3A = arith.constant 0 : i32
    %sign3A_1 = arith.cmpi sgt, %add3A, %sign3A : i32
    %sign3A_2 = arith.extui %sign3A_1 : i1 to i32
    %sign3A_3 = arith.constant 0 : i32
    %sign3A_4 = arith.cmpi slt, %add3A, %sign3A_3 : i32
    %sign3A_5 = arith.extui %sign3A_4 : i1 to i32
    %sign3A_6 = arith.subi %sign3A_2, %sign3A_5 : i32
    %sign3A_7 = arith.constant 0 : i32
    %sign3A_8 = arith.cmpi sgt, %jit3A, %sign3A_7 : i32
    %sign3A_9 = arith.extui %sign3A_8 : i1 to i32
    %sign3A_10 = arith.constant 0 : i32
    %sign3A_11 = arith.cmpi slt, %jit3A, %sign3A_10 : i32
    %sign3A_12 = arith.extui %sign3A_11 : i1 to i32
    %sign3A_13 = arith.subi %sign3A_9, %sign3A_12 : i32
    %ne3A = arith.cmpi ne, %sign3A_6, %sign3A_13 : i32
    %rem3A = arith.remsi %add3A, %jit3A : i32
    %ne3A_14 = arith.constant 0 : i32
    %ne3A_15 = arith.cmpi ne, %rem3A, %ne3A_14 : i32
    %and3A = arith.andi %ne3A, %ne3A_15 : i1
    %sub3A = arith.constant 1 : i32
    %sub3A_16 = arith.subi %div3A, %sub3A : i32
    %select_n3A = arith.select %and3A, %sub3A_16, %div3A : i32
    %jit3A_17 = arith.constant 8 : i32
    %eq3A = arith.constant 0 : i32
    %eq3A_18 = arith.cmpi eq, %jit3A_17, %eq3A : i32
    %jit3A_19 = arith.constant 1 : i32
    %select_n3A_20 = arith.select %eq3A_18, %jit3A_19, %jit3A_17 : i32
    %rem3A_21 = arith.remsi %add3A, %select_n3A_20 : i32
    %ne3A_22 = arith.constant 0 : i32
    %ne3A_23 = arith.cmpi ne, %rem3A_21, %ne3A_22 : i32
    %lt3A = arith.constant 0 : i32
    %lt3A_24 = arith.cmpi slt, %rem3A_21, %lt3A : i32
    %lt3A_25 = arith.constant 0 : i32
    %lt3A_26 = arith.cmpi slt, %select_n3A_20, %lt3A_25 : i32
    %ne3A_27 = arith.xori %lt3A_24, %lt3A_26 : i1
    %and3A_28 = arith.andi %ne3A_27, %ne3A_23 : i1
    %add3A_29 = arith.addi %rem3A_21, %select_n3A_20 : i32
    %select_n3A_30 = arith.select %and3A_28, %add3A_29, %rem3A_21 : i32
    %mul3A_31 = arith.constant 50 : i32
    %mul3A_32 = arith.muli %select_n3A_30, %mul3A_31 : i32
    "tpu.region"() ({
      %run_scoped3A = tpu.sem_alloc : memref<!tpu.dma_semaphore, #tpu.memory_space<semaphore_mem>>
      %dma_start3A = arith.constant 0 : i32
      %dma_start3A_70 = tpu.memref_slice %arg4[%select_n3A, %dma_start3A] : memref<4x12544xi32, #tpu.memory_space<hbm>> -> memref<1x12544xi32, #tpu.memory_space<hbm>>
      %dma_start3A_71 = tpu.memref_squeeze %dma_start3A_70 : memref<1x12544xi32, #tpu.memory_space<hbm>> -> memref<12544xi32, #tpu.memory_space<hbm>>
      %dma_start3A_72 = arith.constant 0 : i32
      %dma_start3A_73 = tpu.memref_slice %arg4[%select_n3A, %dma_start3A_72] : memref<4x12544xi32, #tpu.memory_space<hbm>> -> memref<1x12544xi32, #tpu.memory_space<hbm>>
      %dma_start3A_74 = tpu.memref_squeeze %dma_start3A_73 : memref<1x12544xi32, #tpu.memory_space<hbm>> -> memref<12544xi32, #tpu.memory_space<hbm>>
      tpu.enqueue_dma source(%dma_start3A_74 : memref<12544xi32, #tpu.memory_space<hbm>>) target(%arg11 : memref<12544xi32, #tpu.memory_space<vmem>>) target_semaphore(%run_scoped3A : memref<!tpu.dma_semaphore, #tpu.memory_space<semaphore_mem>>)
      %dma_wait3A_75 = arith.constant 0 : i32
      %dma_wait3A_76 = tpu.memref_slice %arg4[%select_n3A, %dma_wait3A_75] : memref<4x12544xi32, #tpu.memory_space<hbm>> -> memref<1x12544xi32, #tpu.memory_space<hbm>>
      %dma_wait3A_77 = tpu.memref_squeeze %dma_wait3A_76 : memref<1x12544xi32, #tpu.memory_space<hbm>> -> memref<12544xi32, #tpu.memory_space<hbm>>
      %dma_wait3A_78 = arith.constant 0 : i32
      %dma_wait3A_79 = tpu.memref_slice %arg4[%select_n3A, %dma_wait3A_78] : memref<4x12544xi32, #tpu.memory_space<hbm>> -> memref<1x12544xi32, #tpu.memory_space<hbm>>
      %dma_wait3A_80 = tpu.memref_squeeze %dma_wait3A_79 : memref<1x12544xi32, #tpu.memory_space<hbm>> -> memref<12544xi32, #tpu.memory_space<hbm>>
      tpu.wait_dma2 semaphore(%run_scoped3A : memref<!tpu.dma_semaphore, #tpu.memory_space<semaphore_mem>>) src(%dma_wait3A_80 : memref<12544xi32, #tpu.memory_space<hbm>>) dst(%arg11 : memref<12544xi32, #tpu.memory_space<vmem>>)
      tpu.yield
    }) : () -> ()
    "tpu.region"() ({
      %run_scoped3A = tpu.sem_alloc : memref<!tpu.dma_semaphore, #tpu.memory_space<semaphore_mem>>
      %dma_start3A = arith.constant 0 : i32
      %dma_start3A_70 = tpu.memref_slice %arg5[%select_n3A, %dma_start3A] : memref<4x12544xf32, #tpu.memory_space<hbm>> -> memref<1x12544xf32, #tpu.memory_space<hbm>>
      %dma_start3A_71 = tpu.memref_squeeze %dma_start3A_70 : memref<1x12544xf32, #tpu.memory_space<hbm>> -> memref<12544xf32, #tpu.memory_space<hbm>>
      %dma_start3A_72 = arith.constant 0 : i32
      %dma_start3A_73 = tpu.memref_slice %arg5[%select_n3A, %dma_start3A_72] : memref<4x12544xf32, #tpu.memory_space<hbm>> -> memref<1x12544xf32, #tpu.memory_space<hbm>>
      %dma_start3A_74 = tpu.memref_squeeze %dma_start3A_73 : memref<1x12544xf32, #tpu.memory_space<hbm>> -> memref<12544xf32, #tpu.memory_space<hbm>>
      tpu.enqueue_dma source(%dma_start3A_74 : memref<12544xf32, #tpu.memory_space<hbm>>) target(%arg12 : memref<12544xf32, #tpu.memory_space<vmem>>) target_semaphore(%run_scoped3A : memref<!tpu.dma_semaphore, #tpu.memory_space<semaphore_mem>>)
      %dma_wait3A_75 = arith.constant 0 : i32
      %dma_wait3A_76 = tpu.memref_slice %arg5[%select_n3A, %dma_wait3A_75] : memref<4x12544xf32, #tpu.memory_space<hbm>> -> memref<1x12544xf32, #tpu.memory_space<hbm>>
      %dma_wait3A_77 = tpu.memref_squeeze %dma_wait3A_76 : memref<1x12544xf32, #tpu.memory_space<hbm>> -> memref<12544xf32, #tpu.memory_space<hbm>>
      %dma_wait3A_78 = arith.constant 0 : i32
      %dma_wait3A_79 = tpu.memref_slice %arg5[%select_n3A, %dma_wait3A_78] : memref<4x12544xf32, #tpu.memory_space<hbm>> -> memref<1x12544xf32, #tpu.memory_space<hbm>>
      %dma_wait3A_80 = tpu.memref_squeeze %dma_wait3A_79 : memref<1x12544xf32, #tpu.memory_space<hbm>> -> memref<12544xf32, #tpu.memory_space<hbm>>
      tpu.wait_dma2 semaphore(%run_scoped3A : memref<!tpu.dma_semaphore, #tpu.memory_space<semaphore_mem>>) src(%dma_wait3A_80 : memref<12544xf32, #tpu.memory_space<hbm>>) dst(%arg12 : memref<12544xf32, #tpu.memory_space<vmem>>)
      tpu.yield
    }) : () -> ()
    "tpu.region"() ({
      %run_scoped3A = tpu.sem_alloc : memref<!tpu.dma_semaphore, #tpu.memory_space<semaphore_mem>>
      %dma_start3A = arith.constant 0 : i32
      %dma_start3A_70 = tpu.memref_slice %arg6[%select_n3A, %dma_start3A] : memref<4x12544xf32, #tpu.memory_space<hbm>> -> memref<1x12544xf32, #tpu.memory_space<hbm>>
      %dma_start3A_71 = tpu.memref_squeeze %dma_start3A_70 : memref<1x12544xf32, #tpu.memory_space<hbm>> -> memref<12544xf32, #tpu.memory_space<hbm>>
      %dma_start3A_72 = arith.constant 0 : i32
      %dma_start3A_73 = tpu.memref_slice %arg6[%select_n3A, %dma_start3A_72] : memref<4x12544xf32, #tpu.memory_space<hbm>> -> memref<1x12544xf32, #tpu.memory_space<hbm>>
      %dma_start3A_74 = tpu.memref_squeeze %dma_start3A_73 : memref<1x12544xf32, #tpu.memory_space<hbm>> -> memref<12544xf32, #tpu.memory_space<hbm>>
      tpu.enqueue_dma source(%dma_start3A_74 : memref<12544xf32, #tpu.memory_space<hbm>>) target(%arg13 : memref<12544xf32, #tpu.memory_space<vmem>>) target_semaphore(%run_scoped3A : memref<!tpu.dma_semaphore, #tpu.memory_space<semaphore_mem>>)
      %dma_wait3A_75 = arith.constant 0 : i32
      %dma_wait3A_76 = tpu.memref_slice %arg6[%select_n3A, %dma_wait3A_75] : memref<4x12544xf32, #tpu.memory_space<hbm>> -> memref<1x12544xf32, #tpu.memory_space<hbm>>
      %dma_wait3A_77 = tpu.memref_squeeze %dma_wait3A_76 : memref<1x12544xf32, #tpu.memory_space<hbm>> -> memref<12544xf32, #tpu.memory_space<hbm>>
      %dma_wait3A_78 = arith.constant 0 : i32
      %dma_wait3A_79 = tpu.memref_slice %arg6[%select_n3A, %dma_wait3A_78] : memref<4x12544xf32, #tpu.memory_space<hbm>> -> memref<1x12544xf32, #tpu.memory_space<hbm>>
      %dma_wait3A_80 = tpu.memref_squeeze %dma_wait3A_79 : memref<1x12544xf32, #tpu.memory_space<hbm>> -> memref<12544xf32, #tpu.memory_space<hbm>>
      tpu.wait_dma2 semaphore(%run_scoped3A : memref<!tpu.dma_semaphore, #tpu.memory_space<semaphore_mem>>) src(%dma_wait3A_80 : memref<12544xf32, #tpu.memory_space<hbm>>) dst(%arg13 : memref<12544xf32, #tpu.memory_space<vmem>>)
      tpu.yield
    }) : () -> ()
    "tpu.region"() ({
      %run_scoped3A = tpu.sem_alloc : memref<!tpu.dma_semaphore, #tpu.memory_space<semaphore_mem>>
      %dma_start3A = arith.constant 0 : i32
      %dma_start3A_70 = tpu.memref_slice %arg7[%select_n3A, %dma_start3A] : memref<4x12544xf32, #tpu.memory_space<hbm>> -> memref<1x12544xf32, #tpu.memory_space<hbm>>
      %dma_start3A_71 = tpu.memref_squeeze %dma_start3A_70 : memref<1x12544xf32, #tpu.memory_space<hbm>> -> memref<12544xf32, #tpu.memory_space<hbm>>
      %dma_start3A_72 = arith.constant 0 : i32
      %dma_start3A_73 = tpu.memref_slice %arg7[%select_n3A, %dma_start3A_72] : memref<4x12544xf32, #tpu.memory_space<hbm>> -> memref<1x12544xf32, #tpu.memory_space<hbm>>
      %dma_start3A_74 = tpu.memref_squeeze %dma_start3A_73 : memref<1x12544xf32, #tpu.memory_space<hbm>> -> memref<12544xf32, #tpu.memory_space<hbm>>
      tpu.enqueue_dma source(%dma_start3A_74 : memref<12544xf32, #tpu.memory_space<hbm>>) target(%arg14 : memref<12544xf32, #tpu.memory_space<vmem>>) target_semaphore(%run_scoped3A : memref<!tpu.dma_semaphore, #tpu.memory_space<semaphore_mem>>)
      %dma_wait3A_75 = arith.constant 0 : i32
      %dma_wait3A_76 = tpu.memref_slice %arg7[%select_n3A, %dma_wait3A_75] : memref<4x12544xf32, #tpu.memory_space<hbm>> -> memref<1x12544xf32, #tpu.memory_space<hbm>>
      %dma_wait3A_77 = tpu.memref_squeeze %dma_wait3A_76 : memref<1x12544xf32, #tpu.memory_space<hbm>> -> memref<12544xf32, #tpu.memory_space<hbm>>
      %dma_wait3A_78 = arith.constant 0 : i32
      %dma_wait3A_79 = tpu.memref_slice %arg7[%select_n3A, %dma_wait3A_78] : memref<4x12544xf32, #tpu.memory_space<hbm>> -> memref<1x12544xf32, #tpu.memory_space<hbm>>
      %dma_wait3A_80 = tpu.memref_squeeze %dma_wait3A_79 : memref<1x12544xf32, #tpu.memory_space<hbm>> -> memref<12544xf32, #tpu.memory_space<hbm>>
      tpu.wait_dma2 semaphore(%run_scoped3A : memref<!tpu.dma_semaphore, #tpu.memory_space<semaphore_mem>>) src(%dma_wait3A_80 : memref<12544xf32, #tpu.memory_space<hbm>>) dst(%arg14 : memref<12544xf32, #tpu.memory_space<vmem>>)
      tpu.yield
    }) : () -> ()
    "tpu.region"() ({
      %run_scoped3A = tpu.sem_alloc : memref<!tpu.dma_semaphore, #tpu.memory_space<semaphore_mem>>
      %dma_start3A = arith.constant 0 : i32
      %dma_start3A_70 = tpu.memref_slice %arg8[%select_n3A, %dma_start3A] : memref<4x12544xf32, #tpu.memory_space<hbm>> -> memref<1x12544xf32, #tpu.memory_space<hbm>>
      %dma_start3A_71 = tpu.memref_squeeze %dma_start3A_70 : memref<1x12544xf32, #tpu.memory_space<hbm>> -> memref<12544xf32, #tpu.memory_space<hbm>>
      %dma_start3A_72 = arith.constant 0 : i32
      %dma_start3A_73 = tpu.memref_slice %arg8[%select_n3A, %dma_start3A_72] : memref<4x12544xf32, #tpu.memory_space<hbm>> -> memref<1x12544xf32, #tpu.memory_space<hbm>>
      %dma_start3A_74 = tpu.memref_squeeze %dma_start3A_73 : memref<1x12544xf32, #tpu.memory_space<hbm>> -> memref<12544xf32, #tpu.memory_space<hbm>>
      tpu.enqueue_dma source(%dma_start3A_74 : memref<12544xf32, #tpu.memory_space<hbm>>) target(%arg15 : memref<12544xf32, #tpu.memory_space<vmem>>) target_semaphore(%run_scoped3A : memref<!tpu.dma_semaphore, #tpu.memory_space<semaphore_mem>>)
      %dma_wait3A_75 = arith.constant 0 : i32
      %dma_wait3A_76 = tpu.memref_slice %arg8[%select_n3A, %dma_wait3A_75] : memref<4x12544xf32, #tpu.memory_space<hbm>> -> memref<1x12544xf32, #tpu.memory_space<hbm>>
      %dma_wait3A_77 = tpu.memref_squeeze %dma_wait3A_76 : memref<1x12544xf32, #tpu.memory_space<hbm>> -> memref<12544xf32, #tpu.memory_space<hbm>>
      %dma_wait3A_78 = arith.constant 0 : i32
      %dma_wait3A_79 = tpu.memref_slice %arg8[%select_n3A, %dma_wait3A_78] : memref<4x12544xf32, #tpu.memory_space<hbm>> -> memref<1x12544xf32, #tpu.memory_space<hbm>>
      %dma_wait3A_80 = tpu.memref_squeeze %dma_wait3A_79 : memref<1x12544xf32, #tpu.memory_space<hbm>> -> memref<12544xf32, #tpu.memory_space<hbm>>
      tpu.wait_dma2 semaphore(%run_scoped3A : memref<!tpu.dma_semaphore, #tpu.memory_space<semaphore_mem>>) src(%dma_wait3A_80 : memref<12544xf32, #tpu.memory_space<hbm>>) dst(%arg15 : memref<12544xf32, #tpu.memory_space<vmem>>)
      tpu.yield
    }) : () -> ()
    %lt3A_33 = arith.constant 300 : i32
    %lt3A_34 = arith.cmpi slt, %mul3A_32, %lt3A_33 : i32
    %convert_element_type3A = arith.extui %lt3A_34 : i1 to i32
    %cond3A = arith.constant 0 : i32
    %cond3A_35 = arith.cmpi ne, %convert_element_type3A, %cond3A : i32
    scf.if %cond3A_35 {
      %mul3A_70 = arith.constant 300 : i32
      %mul3A_71 = arith.muli %select_n3A, %mul3A_70 : i32
      %add3A_72 = arith.addi %mul3A_71, %mul3A_32 : i32
      %dma_start3A = arith.constant 0 : i32
      %dma_start3A_73 = tpu.memref_slice %arg2[%add3A_72, %dma_start3A] : memref<1200x16384xf32, #tpu.memory_space<hbm>> -> memref<1x16384xf32, #tpu.memory_space<hbm>>
      %dma_start3A_74 = tpu.memref_squeeze %dma_start3A_73 : memref<1x16384xf32, #tpu.memory_space<hbm>> -> memref<16384xf32, #tpu.memory_space<hbm>>
      %dma_start3A_75 = arith.constant 0 : i32
      %dma_start3A_76 = tpu.memref_slice %arg2[%add3A_72, %dma_start3A_75] : memref<1200x16384xf32, #tpu.memory_space<hbm>> -> memref<1x16384xf32, #tpu.memory_space<hbm>>
      %dma_start3A_77 = tpu.memref_squeeze %dma_start3A_76 : memref<1x16384xf32, #tpu.memory_space<hbm>> -> memref<16384xf32, #tpu.memory_space<hbm>>
      tpu.enqueue_dma source(%dma_start3A_77 : memref<16384xf32, #tpu.memory_space<hbm>>) target(%arg16 : memref<16384xf32, #tpu.memory_space<vmem>>) target_semaphore(%arg20 : memref<!tpu.dma_semaphore, #tpu.memory_space<semaphore_mem>>)
    } else {
    }
    %not3A = arith.constant true
    %not3A_36 = arith.xori %lt3A_34, %not3A : i1
    %convert_element_type3A_37 = arith.extui %not3A_36 : i1 to i32
    %cond3A_38 = arith.constant 0 : i32
    %cond3A_39 = arith.cmpi ne, %convert_element_type3A_37, %cond3A_38 : i32
    scf.if %cond3A_39 {
      %mul3A_70 = arith.constant 100 : i32
      %mul3A_71 = arith.muli %select_n3A, %mul3A_70 : i32
      %sub3A_72 = arith.constant 300 : i32
      %sub3A_73 = arith.subi %mul3A_32, %sub3A_72 : i32
      %add3A_74 = arith.addi %mul3A_71, %sub3A_73 : i32
      %dma_start3A = arith.constant 0 : i32
      %dma_start3A_75 = tpu.memref_slice %arg3[%add3A_74, %dma_start3A] : memref<400x16384xf32, #tpu.memory_space<hbm>> -> memref<1x16384xf32, #tpu.memory_space<hbm>>
      %dma_start3A_76 = tpu.memref_squeeze %dma_start3A_75 : memref<1x16384xf32, #tpu.memory_space<hbm>> -> memref<16384xf32, #tpu.memory_space<hbm>>
      %dma_start3A_77 = arith.constant 0 : i32
      %dma_start3A_78 = tpu.memref_slice %arg3[%add3A_74, %dma_start3A_77] : memref<400x16384xf32, #tpu.memory_space<hbm>> -> memref<1x16384xf32, #tpu.memory_space<hbm>>
      %dma_start3A_79 = tpu.memref_squeeze %dma_start3A_78 : memref<1x16384xf32, #tpu.memory_space<hbm>> -> memref<16384xf32, #tpu.memory_space<hbm>>
      tpu.enqueue_dma source(%dma_start3A_79 : memref<16384xf32, #tpu.memory_space<hbm>>) target(%arg16 : memref<16384xf32, #tpu.memory_space<vmem>>) target_semaphore(%arg20 : memref<!tpu.dma_semaphore, #tpu.memory_space<semaphore_mem>>)
    } else {
    }
    %add3A_40 = arith.constant 1 : i32
    %add3A_41 = arith.addi %mul3A_32, %add3A_40 : i32
    %lt3A_42 = arith.constant 300 : i32
    %lt3A_43 = arith.cmpi slt, %add3A_41, %lt3A_42 : i32
    %convert_element_type3A_44 = arith.extui %lt3A_43 : i1 to i32
    %cond3A_45 = arith.constant 0 : i32
    %cond3A_46 = arith.cmpi ne, %convert_element_type3A_44, %cond3A_45 : i32
    scf.if %cond3A_46 {
      %mul3A_70 = arith.constant 300 : i32
      %mul3A_71 = arith.muli %select_n3A, %mul3A_70 : i32
      %add3A_72 = arith.addi %mul3A_71, %add3A_41 : i32
      %dma_start3A = arith.constant 0 : i32
      %dma_start3A_73 = tpu.memref_slice %arg2[%add3A_72, %dma_start3A] : memref<1200x16384xf32, #tpu.memory_space<hbm>> -> memref<1x16384xf32, #tpu.memory_space<hbm>>
      %dma_start3A_74 = tpu.memref_squeeze %dma_start3A_73 : memref<1x16384xf32, #tpu.memory_space<hbm>> -> memref<16384xf32, #tpu.memory_space<hbm>>
      %dma_start3A_75 = arith.constant 0 : i32
      %dma_start3A_76 = tpu.memref_slice %arg2[%add3A_72, %dma_start3A_75] : memref<1200x16384xf32, #tpu.memory_space<hbm>> -> memref<1x16384xf32, #tpu.memory_space<hbm>>
      %dma_start3A_77 = tpu.memref_squeeze %dma_start3A_76 : memref<1x16384xf32, #tpu.memory_space<hbm>> -> memref<16384xf32, #tpu.memory_space<hbm>>
      tpu.enqueue_dma source(%dma_start3A_77 : memref<16384xf32, #tpu.memory_space<hbm>>) target(%arg17 : memref<16384xf32, #tpu.memory_space<vmem>>) target_semaphore(%arg21 : memref<!tpu.dma_semaphore, #tpu.memory_space<semaphore_mem>>)
    } else {
    }
    %not3A_47 = arith.constant true
    %not3A_48 = arith.xori %lt3A_43, %not3A_47 : i1
    %convert_element_type3A_49 = arith.extui %not3A_48 : i1 to i32
    %cond3A_50 = arith.constant 0 : i32
    %cond3A_51 = arith.cmpi ne, %convert_element_type3A_49, %cond3A_50 : i32
    scf.if %cond3A_51 {
      %mul3A_70 = arith.constant 100 : i32
      %mul3A_71 = arith.muli %select_n3A, %mul3A_70 : i32
      %sub3A_72 = arith.constant 300 : i32
      %sub3A_73 = arith.subi %add3A_41, %sub3A_72 : i32
      %add3A_74 = arith.addi %mul3A_71, %sub3A_73 : i32
      %dma_start3A = arith.constant 0 : i32
      %dma_start3A_75 = tpu.memref_slice %arg3[%add3A_74, %dma_start3A] : memref<400x16384xf32, #tpu.memory_space<hbm>> -> memref<1x16384xf32, #tpu.memory_space<hbm>>
      %dma_start3A_76 = tpu.memref_squeeze %dma_start3A_75 : memref<1x16384xf32, #tpu.memory_space<hbm>> -> memref<16384xf32, #tpu.memory_space<hbm>>
      %dma_start3A_77 = arith.constant 0 : i32
      %dma_start3A_78 = tpu.memref_slice %arg3[%add3A_74, %dma_start3A_77] : memref<400x16384xf32, #tpu.memory_space<hbm>> -> memref<1x16384xf32, #tpu.memory_space<hbm>>
      %dma_start3A_79 = tpu.memref_squeeze %dma_start3A_78 : memref<1x16384xf32, #tpu.memory_space<hbm>> -> memref<16384xf32, #tpu.memory_space<hbm>>
      tpu.enqueue_dma source(%dma_start3A_79 : memref<16384xf32, #tpu.memory_space<hbm>>) target(%arg17 : memref<16384xf32, #tpu.memory_space<vmem>>) target_semaphore(%arg21 : memref<!tpu.dma_semaphore, #tpu.memory_space<semaphore_mem>>)
    } else {
    }
    %scan3A = arith.constant 0 : i32
    %scan3A_52 = arith.constant 0 : i32
    %scan3A_53 = arith.constant 25 : i32
    %scan3A_54 = arith.addi %scan3A_52, %scan3A_53 : i32
    %scan3A_55 = arith.constant 1 : i32
    scf.for %scan3A_70 = %scan3A_52 to %scan3A_54 step %scan3A_55  : i32 {
      %mul3A_71 = arith.constant 2 : i32
      %mul3A_72 = arith.muli %mul3A_71, %scan3A_70 : i32
      %add3A_73 = arith.addi %mul3A_32, %mul3A_72 : i32
      %dma_wait3A_74 = arith.constant 0 : i32
      %dma_wait3A_75 = arith.constant 0 : i32
      %dma_wait3A_76 = tpu.memref_slice %arg2[%dma_wait3A_74, %dma_wait3A_75] : memref<1200x16384xf32, #tpu.memory_space<hbm>> -> memref<1x16384xf32, #tpu.memory_space<hbm>>
      %dma_wait3A_77 = tpu.memref_squeeze %dma_wait3A_76 : memref<1x16384xf32, #tpu.memory_space<hbm>> -> memref<16384xf32, #tpu.memory_space<hbm>>
      %dma_wait3A_78 = arith.constant 0 : i32
      %dma_wait3A_79 = tpu.memref_slice %arg2[%dma_wait3A_74, %dma_wait3A_78] : memref<1200x16384xf32, #tpu.memory_space<hbm>> -> memref<1x16384xf32, #tpu.memory_space<hbm>>
      %dma_wait3A_80 = tpu.memref_squeeze %dma_wait3A_79 : memref<1x16384xf32, #tpu.memory_space<hbm>> -> memref<16384xf32, #tpu.memory_space<hbm>>
      tpu.wait_dma2 semaphore(%arg20 : memref<!tpu.dma_semaphore, #tpu.memory_space<semaphore_mem>>) src(%dma_wait3A_80 : memref<16384xf32, #tpu.memory_space<hbm>>) dst(%arg16 : memref<16384xf32, #tpu.memory_space<vmem>>)
      %dma_wait3A_81 = arith.constant 0 : i32
      %dma_wait3A_82 = arith.constant 0 : i32
      %dma_wait3A_83 = tpu.memref_slice %arg2[%dma_wait3A_81, %dma_wait3A_82] : memref<1200x16384xf32, #tpu.memory_space<hbm>> -> memref<1x16384xf32, #tpu.memory_space<hbm>>
      %dma_wait3A_84 = tpu.memref_squeeze %dma_wait3A_83 : memref<1x16384xf32, #tpu.memory_space<hbm>> -> memref<16384xf32, #tpu.memory_space<hbm>>
      %dma_wait3A_85 = arith.constant 0 : i32
      %dma_wait3A_86 = tpu.memref_slice %arg2[%dma_wait3A_81, %dma_wait3A_85] : memref<1200x16384xf32, #tpu.memory_space<hbm>> -> memref<1x16384xf32, #tpu.memory_space<hbm>>
      %dma_wait3A_87 = tpu.memref_squeeze %dma_wait3A_86 : memref<1x16384xf32, #tpu.memory_space<hbm>> -> memref<16384xf32, #tpu.memory_space<hbm>>
      tpu.wait_dma2 semaphore(%arg21 : memref<!tpu.dma_semaphore, #tpu.memory_space<semaphore_mem>>) src(%dma_wait3A_87 : memref<16384xf32, #tpu.memory_space<hbm>>) dst(%arg17 : memref<16384xf32, #tpu.memory_space<vmem>>)
      %gt3A = arith.constant 0 : i32
      %gt3A_88 = arith.cmpi sgt, %scan3A_70, %gt3A : i32
      %convert_element_type3A_89 = arith.extui %gt3A_88 : i1 to i32
      %cond3A_90 = arith.constant 0 : i32
      %cond3A_91 = arith.cmpi ne, %convert_element_type3A_89, %cond3A_90 : i32
      scf.if %cond3A_91 {
        %dma_wait3A_121 = arith.constant 0 : i32
        %dma_wait3A_122 = arith.constant 0 : i32
        %dma_wait3A_123 = tpu.memref_slice %arg9[%dma_wait3A_121, %dma_wait3A_122] : memref<1200x12544xf32, #tpu.memory_space<hbm>> -> memref<1x12544xf32, #tpu.memory_space<hbm>>
        %dma_wait3A_124 = tpu.memref_squeeze %dma_wait3A_123 : memref<1x12544xf32, #tpu.memory_space<hbm>> -> memref<12544xf32, #tpu.memory_space<hbm>>
        %dma_wait3A_125 = arith.constant 0 : i32
        %dma_wait3A_126 = tpu.memref_slice %arg9[%dma_wait3A_121, %dma_wait3A_125] : memref<1200x12544xf32, #tpu.memory_space<hbm>> -> memref<1x12544xf32, #tpu.memory_space<hbm>>
        %dma_wait3A_127 = tpu.memref_squeeze %dma_wait3A_126 : memref<1x12544xf32, #tpu.memory_space<hbm>> -> memref<12544xf32, #tpu.memory_space<hbm>>
        tpu.wait_dma2 semaphore(%arg22 : memref<!tpu.dma_semaphore, #tpu.memory_space<semaphore_mem>>) src(%arg18 : memref<12544xf32, #tpu.memory_space<vmem>>) dst(%dma_wait3A_127 : memref<12544xf32, #tpu.memory_space<hbm>>)
        %dma_wait3A_128 = arith.constant 0 : i32
        %dma_wait3A_129 = arith.constant 0 : i32
        %dma_wait3A_130 = tpu.memref_slice %arg9[%dma_wait3A_128, %dma_wait3A_129] : memref<1200x12544xf32, #tpu.memory_space<hbm>> -> memref<1x12544xf32, #tpu.memory_space<hbm>>
        %dma_wait3A_131 = tpu.memref_squeeze %dma_wait3A_130 : memref<1x12544xf32, #tpu.memory_space<hbm>> -> memref<12544xf32, #tpu.memory_space<hbm>>
        %dma_wait3A_132 = arith.constant 0 : i32
        %dma_wait3A_133 = tpu.memref_slice %arg9[%dma_wait3A_128, %dma_wait3A_132] : memref<1200x12544xf32, #tpu.memory_space<hbm>> -> memref<1x12544xf32, #tpu.memory_space<hbm>>
        %dma_wait3A_134 = tpu.memref_squeeze %dma_wait3A_133 : memref<1x12544xf32, #tpu.memory_space<hbm>> -> memref<12544xf32, #tpu.memory_space<hbm>>
        tpu.wait_dma2 semaphore(%arg23 : memref<!tpu.dma_semaphore, #tpu.memory_space<semaphore_mem>>) src(%arg19 : memref<12544xf32, #tpu.memory_space<vmem>>) dst(%dma_wait3A_134 : memref<12544xf32, #tpu.memory_space<hbm>>)
      } else {
      }
      %parallel_loop3A = arith.constant 0 : i32
      %parallel_loop3A_92 = arith.constant 12544 : i32
      %parallel_loop3A_93 = arith.constant 16 : i32
      scf.for %parallel_loop3A_121 = %parallel_loop3A to %parallel_loop3A_92 step %parallel_loop3A_93  : i32 {
        %parallel_loop3A_122 = arith.index_cast %parallel_loop3A_121 : i32 to index
        %parallel_loop3A_123 = tpu.vector_load %arg11[%parallel_loop3A_122] {strides = array<i32>} : memref<12544xi32, #tpu.memory_space<vmem>>, vector<16xi32>,
        %parallel_loop3A_124 = arith.constant 16383 : i32
        %parallel_loop3A_125 = vector.broadcast %parallel_loop3A_124 : i32 to vector<16xi32>
        %parallel_loop3A_126 = arith.andi %parallel_loop3A_123, %parallel_loop3A_125 : vector<16xi32>
        %parallel_loop3A_127 = arith.constant 14 : i32
        %parallel_loop3A_128 = vector.broadcast %parallel_loop3A_127 : i32 to vector<16xi32>
        %parallel_loop3A_129 = arith.shrui %parallel_loop3A_123, %parallel_loop3A_128 : vector<16xi32>
        %parallel_loop3A_130 = arith.constant 1 : i32
        %parallel_loop3A_131 = vector.broadcast %parallel_loop3A_130 : i32 to vector<16xi32>
        %parallel_loop3A_132 = arith.andi %parallel_loop3A_129, %parallel_loop3A_131 : vector<16xi32>
        %parallel_loop3A_133 = arith.constant 15 : i32
        %parallel_loop3A_134 = vector.broadcast %parallel_loop3A_133 : i32 to vector<16xi32>
        %parallel_loop3A_135 = arith.shrui %parallel_loop3A_123, %parallel_loop3A_134 : vector<16xi32>
        %parallel_loop3A_136 = arith.constant 1 : i32
        %parallel_loop3A_137 = vector.broadcast %parallel_loop3A_136 : i32 to vector<16xi32>
        %parallel_loop3A_138 = arith.andi %parallel_loop3A_135, %parallel_loop3A_137 : vector<16xi32>
        %parallel_loop3A_139 = arith.constant 7 : i32
        %parallel_loop3A_140 = vector.broadcast %parallel_loop3A_139 : i32 to vector<16xi32>
        %parallel_loop3A_141 = arith.shli %parallel_loop3A_138, %parallel_loop3A_140 : vector<16xi32>
        %parallel_loop3A_142 = arith.addi %parallel_loop3A_126, %parallel_loop3A_132 : vector<16xi32>
        %parallel_loop3A_143 = arith.addi %parallel_loop3A_126, %parallel_loop3A_141 : vector<16xi32>
        %parallel_loop3A_144 = arith.addi %parallel_loop3A_143, %parallel_loop3A_132 : vector<16xi32>
        %parallel_loop3A_145 = arith.index_cast %parallel_loop3A_121 : i32 to index
        %parallel_loop3A_146 = tpu.vector_load %arg12[%parallel_loop3A_145] {strides = array<i32>} : memref<12544xf32, #tpu.memory_space<vmem>>, vector<16xf32>,
        %parallel_loop3A_147 = arith.index_cast %parallel_loop3A_121 : i32 to index
        %parallel_loop3A_148 = tpu.vector_load %arg13[%parallel_loop3A_147] {strides = array<i32>} : memref<12544xf32, #tpu.memory_space<vmem>>, vector<16xf32>,
        %parallel_loop3A_149 = arith.index_cast %parallel_loop3A_121 : i32 to index
        %parallel_loop3A_150 = tpu.vector_load %arg14[%parallel_loop3A_149] {strides = array<i32>} : memref<12544xf32, #tpu.memory_space<vmem>>, vector<16xf32>,
        %parallel_loop3A_151 = arith.index_cast %parallel_loop3A_121 : i32 to index
        %parallel_loop3A_152 = tpu.vector_load %arg15[%parallel_loop3A_151] {strides = array<i32>} : memref<12544xf32, #tpu.memory_space<vmem>>, vector<16xf32>,
        %parallel_loop3A_153 = tpu.vector_load_idx %arg16[%parallel_loop3A_126] : memref<16384xf32, #tpu.memory_space<vmem>>[vector<16xi32>], vector<16xf32>,
        %parallel_loop3A_154 = tpu.vector_load_idx %arg16[%parallel_loop3A_142] : memref<16384xf32, #tpu.memory_space<vmem>>[vector<16xi32>], vector<16xf32>,
        %parallel_loop3A_155 = tpu.vector_load_idx %arg16[%parallel_loop3A_143] : memref<16384xf32, #tpu.memory_space<vmem>>[vector<16xi32>], vector<16xf32>,
        %parallel_loop3A_156 = tpu.vector_load_idx %arg16[%parallel_loop3A_144] : memref<16384xf32, #tpu.memory_space<vmem>>[vector<16xi32>], vector<16xf32>,
        %parallel_loop3A_157 = arith.mulf %parallel_loop3A_153, %parallel_loop3A_146 : vector<16xf32>
        %parallel_loop3A_158 = arith.mulf %parallel_loop3A_154, %parallel_loop3A_148 : vector<16xf32>
        %parallel_loop3A_159 = arith.addf %parallel_loop3A_157, %parallel_loop3A_158 : vector<16xf32>
        %parallel_loop3A_160 = arith.mulf %parallel_loop3A_155, %parallel_loop3A_150 : vector<16xf32>
        %parallel_loop3A_161 = arith.addf %parallel_loop3A_159, %parallel_loop3A_160 : vector<16xf32>
        %parallel_loop3A_162 = arith.mulf %parallel_loop3A_156, %parallel_loop3A_152 : vector<16xf32>
        %parallel_loop3A_163 = arith.addf %parallel_loop3A_161, %parallel_loop3A_162 : vector<16xf32>
        %parallel_loop3A_164 = arith.index_cast %parallel_loop3A_121 : i32 to index
        %parallel_loop3A_165 = tpu.vector_load %arg18[%parallel_loop3A_164] {strides = array<i32>} : memref<12544xf32, #tpu.memory_space<vmem>>, vector<16xf32>,
        tpu.vector_store %arg18[%parallel_loop3A_164], %parallel_loop3A_163 {strides = array<i32>} : memref<12544xf32, #tpu.memory_space<vmem>>, vector<16xf32>,
        %parallel_loop3A_166 = tpu.vector_load_idx %arg17[%parallel_loop3A_126] : memref<16384xf32, #tpu.memory_space<vmem>>[vector<16xi32>], vector<16xf32>,
        %parallel_loop3A_167 = tpu.vector_load_idx %arg17[%parallel_loop3A_142] : memref<16384xf32, #tpu.memory_space<vmem>>[vector<16xi32>], vector<16xf32>,
        %parallel_loop3A_168 = tpu.vector_load_idx %arg17[%parallel_loop3A_143] : memref<16384xf32, #tpu.memory_space<vmem>>[vector<16xi32>], vector<16xf32>,
        %parallel_loop3A_169 = tpu.vector_load_idx %arg17[%parallel_loop3A_144] : memref<16384xf32, #tpu.memory_space<vmem>>[vector<16xi32>], vector<16xf32>,
        %parallel_loop3A_170 = arith.mulf %parallel_loop3A_166, %parallel_loop3A_146 : vector<16xf32>
        %parallel_loop3A_171 = arith.mulf %parallel_loop3A_167, %parallel_loop3A_148 : vector<16xf32>
        %parallel_loop3A_172 = arith.addf %parallel_loop3A_170, %parallel_loop3A_171 : vector<16xf32>
        %parallel_loop3A_173 = arith.mulf %parallel_loop3A_168, %parallel_loop3A_150 : vector<16xf32>
        %parallel_loop3A_174 = arith.addf %parallel_loop3A_172, %parallel_loop3A_173 : vector<16xf32>
        %parallel_loop3A_175 = arith.mulf %parallel_loop3A_169, %parallel_loop3A_152 : vector<16xf32>
        %parallel_loop3A_176 = arith.addf %parallel_loop3A_174, %parallel_loop3A_175 : vector<16xf32>
        %parallel_loop3A_177 = arith.index_cast %parallel_loop3A_121 : i32 to index
        %parallel_loop3A_178 = tpu.vector_load %arg19[%parallel_loop3A_177] {strides = array<i32>} : memref<12544xf32, #tpu.memory_space<vmem>>, vector<16xf32>,
        tpu.vector_store %arg19[%parallel_loop3A_177], %parallel_loop3A_176 {strides = array<i32>} : memref<12544xf32, #tpu.memory_space<vmem>>, vector<16xf32>,
      } {sc.loop_unroll_factor = 4 : i64, sc.parallel_access}
      %lt3A_94 = arith.constant 300 : i32
      %lt3A_95 = arith.cmpi slt, %add3A_73, %lt3A_94 : i32
      %convert_element_type3A_96 = arith.extui %lt3A_95 : i1 to i32
      %cond3A_97 = arith.constant 0 : i32
      %cond3A_98 = arith.cmpi ne, %convert_element_type3A_96, %cond3A_97 : i32
      scf.if %cond3A_98 {
        %mul3A_121 = arith.constant 300 : i32
        %mul3A_122 = arith.muli %select_n3A, %mul3A_121 : i32
        %add3A_123 = arith.addi %mul3A_122, %add3A_73 : i32
        %dma_start3A = arith.constant 0 : i32
        %dma_start3A_124 = tpu.memref_slice %arg9[%add3A_123, %dma_start3A] : memref<1200x12544xf32, #tpu.memory_space<hbm>> -> memref<1x12544xf32, #tpu.memory_space<hbm>>
        %dma_start3A_125 = tpu.memref_squeeze %dma_start3A_124 : memref<1x12544xf32, #tpu.memory_space<hbm>> -> memref<12544xf32, #tpu.memory_space<hbm>>
        %dma_start3A_126 = arith.constant 0 : i32
        %dma_start3A_127 = tpu.memref_slice %arg9[%add3A_123, %dma_start3A_126] : memref<1200x12544xf32, #tpu.memory_space<hbm>> -> memref<1x12544xf32, #tpu.memory_space<hbm>>
        %dma_start3A_128 = tpu.memref_squeeze %dma_start3A_127 : memref<1x12544xf32, #tpu.memory_space<hbm>> -> memref<12544xf32, #tpu.memory_space<hbm>>
        tpu.enqueue_dma source(%arg18 : memref<12544xf32, #tpu.memory_space<vmem>>) target(%dma_start3A_128 : memref<12544xf32, #tpu.memory_space<hbm>>) target_semaphore(%arg22 : memref<!tpu.dma_semaphore, #tpu.memory_space<semaphore_mem>>)
      } else {
      }
      %not3A_99 = arith.constant true
      %not3A_100 = arith.xori %lt3A_95, %not3A_99 : i1
      %convert_element_type3A_101 = arith.extui %not3A_100 : i1 to i32
      %cond3A_102 = arith.constant 0 : i32
      %cond3A_103 = arith.cmpi ne, %convert_element_type3A_101, %cond3A_102 : i32
      scf.if %cond3A_103 {
        %mul3A_121 = arith.constant 100 : i32
        %mul3A_122 = arith.muli %select_n3A, %mul3A_121 : i32
        %sub3A_123 = arith.constant 300 : i32
        %sub3A_124 = arith.subi %add3A_73, %sub3A_123 : i32
        %add3A_125 = arith.addi %mul3A_122, %sub3A_124 : i32
        %dma_start3A = arith.constant 0 : i32
        %dma_start3A_126 = tpu.memref_slice %arg10[%add3A_125, %dma_start3A] : memref<400x12544xf32, #tpu.memory_space<hbm>> -> memref<1x12544xf32, #tpu.memory_space<hbm>>
        %dma_start3A_127 = tpu.memref_squeeze %dma_start3A_126 : memref<1x12544xf32, #tpu.memory_space<hbm>> -> memref<12544xf32, #tpu.memory_space<hbm>>
        %dma_start3A_128 = arith.constant 0 : i32
        %dma_start3A_129 = tpu.memref_slice %arg10[%add3A_125, %dma_start3A_128] : memref<400x12544xf32, #tpu.memory_space<hbm>> -> memref<1x12544xf32, #tpu.memory_space<hbm>>
        %dma_start3A_130 = tpu.memref_squeeze %dma_start3A_129 : memref<1x12544xf32, #tpu.memory_space<hbm>> -> memref<12544xf32, #tpu.memory_space<hbm>>
        tpu.enqueue_dma source(%arg18 : memref<12544xf32, #tpu.memory_space<vmem>>) target(%dma_start3A_130 : memref<12544xf32, #tpu.memory_space<hbm>>) target_semaphore(%arg22 : memref<!tpu.dma_semaphore, #tpu.memory_space<semaphore_mem>>)
      } else {
      }
      %add3A_104 = arith.constant 1 : i32
      %add3A_105 = arith.addi %add3A_73, %add3A_104 : i32
      %lt3A_106 = arith.constant 300 : i32
      %lt3A_107 = arith.cmpi slt, %add3A_105, %lt3A_106 : i32
      %convert_element_type3A_108 = arith.extui %lt3A_107 : i1 to i32
      %cond3A_109 = arith.constant 0 : i32
      %cond3A_110 = arith.cmpi ne, %convert_element_type3A_108, %cond3A_109 : i32
      scf.if %cond3A_110 {
        %mul3A_121 = arith.constant 300 : i32
        %mul3A_122 = arith.muli %select_n3A, %mul3A_121 : i32
        %add3A_123 = arith.addi %mul3A_122, %add3A_105 : i32
        %dma_start3A = arith.constant 0 : i32
        %dma_start3A_124 = tpu.memref_slice %arg9[%add3A_123, %dma_start3A] : memref<1200x12544xf32, #tpu.memory_space<hbm>> -> memref<1x12544xf32, #tpu.memory_space<hbm>>
        %dma_start3A_125 = tpu.memref_squeeze %dma_start3A_124 : memref<1x12544xf32, #tpu.memory_space<hbm>> -> memref<12544xf32, #tpu.memory_space<hbm>>
        %dma_start3A_126 = arith.constant 0 : i32
        %dma_start3A_127 = tpu.memref_slice %arg9[%add3A_123, %dma_start3A_126] : memref<1200x12544xf32, #tpu.memory_space<hbm>> -> memref<1x12544xf32, #tpu.memory_space<hbm>>
        %dma_start3A_128 = tpu.memref_squeeze %dma_start3A_127 : memref<1x12544xf32, #tpu.memory_space<hbm>> -> memref<12544xf32, #tpu.memory_space<hbm>>
        tpu.enqueue_dma source(%arg19 : memref<12544xf32, #tpu.memory_space<vmem>>) target(%dma_start3A_128 : memref<12544xf32, #tpu.memory_space<hbm>>) target_semaphore(%arg23 : memref<!tpu.dma_semaphore, #tpu.memory_space<semaphore_mem>>)
      } else {
      }
      %not3A_111 = arith.constant true
      %not3A_112 = arith.xori %lt3A_107, %not3A_111 : i1
      %convert_element_type3A_113 = arith.extui %not3A_112 : i1 to i32
      %cond3A_114 = arith.constant 0 : i32
      %cond3A_115 = arith.cmpi ne, %convert_element_type3A_113, %cond3A_114 : i32
      scf.if %cond3A_115 {
        %mul3A_121 = arith.constant 100 : i32
        %mul3A_122 = arith.muli %select_n3A, %mul3A_121 : i32
        %sub3A_123 = arith.constant 300 : i32
        %sub3A_124 = arith.subi %add3A_105, %sub3A_123 : i32
        %add3A_125 = arith.addi %mul3A_122, %sub3A_124 : i32
        %dma_start3A = arith.constant 0 : i32
        %dma_start3A_126 = tpu.memref_slice %arg10[%add3A_125, %dma_start3A] : memref<400x12544xf32, #tpu.memory_space<hbm>> -> memref<1x12544xf32, #tpu.memory_space<hbm>>
        %dma_start3A_127 = tpu.memref_squeeze %dma_start3A_126 : memref<1x12544xf32, #tpu.memory_space<hbm>> -> memref<12544xf32, #tpu.memory_space<hbm>>
        %dma_start3A_128 = arith.constant 0 : i32
        %dma_start3A_129 = tpu.memref_slice %arg10[%add3A_125, %dma_start3A_128] : memref<400x12544xf32, #tpu.memory_space<hbm>> -> memref<1x12544xf32, #tpu.memory_space<hbm>>
        %dma_start3A_130 = tpu.memref_squeeze %dma_start3A_129 : memref<1x12544xf32, #tpu.memory_space<hbm>> -> memref<12544xf32, #tpu.memory_space<hbm>>
        tpu.enqueue_dma source(%arg19 : memref<12544xf32, #tpu.memory_space<vmem>>) target(%dma_start3A_130 : memref<12544xf32, #tpu.memory_space<hbm>>) target_semaphore(%arg23 : memref<!tpu.dma_semaphore, #tpu.memory_space<semaphore_mem>>)
      } else {
      }
      %lt3A_116 = arith.constant 24 : i32
      %lt3A_117 = arith.cmpi slt, %scan3A_70, %lt3A_116 : i32
      %convert_element_type3A_118 = arith.extui %lt3A_117 : i1 to i32
      %cond3A_119 = arith.constant 0 : i32
      %cond3A_120 = arith.cmpi ne, %convert_element_type3A_118, %cond3A_119 : i32
      scf.if %cond3A_120 {
        %add3A_121 = arith.constant 2 : i32
        %add3A_122 = arith.addi %add3A_73, %add3A_121 : i32
        %lt3A_123 = arith.constant 300 : i32
        %lt3A_124 = arith.cmpi slt, %add3A_122, %lt3A_123 : i32
        %convert_element_type3A_125 = arith.extui %lt3A_124 : i1 to i32
        %cond3A_126 = arith.constant 0 : i32
        %cond3A_127 = arith.cmpi ne, %convert_element_type3A_125, %cond3A_126 : i32
        scf.if %cond3A_127 {
          %mul3A_145 = arith.constant 300 : i32
          %mul3A_146 = arith.muli %select_n3A, %mul3A_145 : i32
          %add3A_147 = arith.addi %mul3A_146, %add3A_122 : i32
          %dma_start3A = arith.constant 0 : i32
          %dma_start3A_148 = tpu.memref_slice %arg2[%add3A_147, %dma_start3A] : memref<1200x16384xf32, #tpu.memory_space<hbm>> -> memref<1x16384xf32, #tpu.memory_space<hbm>>
          %dma_start3A_149 = tpu.memref_squeeze %dma_start3A_148 : memref<1x16384xf32, #tpu.memory_space<hbm>> -> memref<16384xf32, #tpu.memory_space<hbm>>
          %dma_start3A_150 = arith.constant 0 : i32
          %dma_start3A_151 = tpu.memref_slice %arg2[%add3A_147, %dma_start3A_150] : memref<1200x16384xf32, #tpu.memory_space<hbm>> -> memref<1x16384xf32, #tpu.memory_space<hbm>>
          %dma_start3A_152 = tpu.memref_squeeze %dma_start3A_151 : memref<1x16384xf32, #tpu.memory_space<hbm>> -> memref<16384xf32, #tpu.memory_space<hbm>>
          tpu.enqueue_dma source(%dma_start3A_152 : memref<16384xf32, #tpu.memory_space<hbm>>) target(%arg16 : memref<16384xf32, #tpu.memory_space<vmem>>) target_semaphore(%arg20 : memref<!tpu.dma_semaphore, #tpu.memory_space<semaphore_mem>>)
        } else {
        }
        %not3A_128 = arith.constant true
        %not3A_129 = arith.xori %lt3A_124, %not3A_128 : i1
        %convert_element_type3A_130 = arith.extui %not3A_129 : i1 to i32
        %cond3A_131 = arith.constant 0 : i32
        %cond3A_132 = arith.cmpi ne, %convert_element_type3A_130, %cond3A_131 : i32
        scf.if %cond3A_132 {
          %mul3A_145 = arith.constant 100 : i32
          %mul3A_146 = arith.muli %select_n3A, %mul3A_145 : i32
          %sub3A_147 = arith.constant 300 : i32
          %sub3A_148 = arith.subi %add3A_122, %sub3A_147 : i32
          %add3A_149 = arith.addi %mul3A_146, %sub3A_148 : i32
          %dma_start3A = arith.constant 0 : i32
          %dma_start3A_150 = tpu.memref_slice %arg3[%add3A_149, %dma_start3A] : memref<400x16384xf32, #tpu.memory_space<hbm>> -> memref<1x16384xf32, #tpu.memory_space<hbm>>
          %dma_start3A_151 = tpu.memref_squeeze %dma_start3A_150 : memref<1x16384xf32, #tpu.memory_space<hbm>> -> memref<16384xf32, #tpu.memory_space<hbm>>
          %dma_start3A_152 = arith.constant 0 : i32
          %dma_start3A_153 = tpu.memref_slice %arg3[%add3A_149, %dma_start3A_152] : memref<400x16384xf32, #tpu.memory_space<hbm>> -> memref<1x16384xf32, #tpu.memory_space<hbm>>
          %dma_start3A_154 = tpu.memref_squeeze %dma_start3A_153 : memref<1x16384xf32, #tpu.memory_space<hbm>> -> memref<16384xf32, #tpu.memory_space<hbm>>
          tpu.enqueue_dma source(%dma_start3A_154 : memref<16384xf32, #tpu.memory_space<hbm>>) target(%arg16 : memref<16384xf32, #tpu.memory_space<vmem>>) target_semaphore(%arg20 : memref<!tpu.dma_semaphore, #tpu.memory_space<semaphore_mem>>)
        } else {
        }
        %add3A_133 = arith.constant 3 : i32
        %add3A_134 = arith.addi %add3A_73, %add3A_133 : i32
        %lt3A_135 = arith.constant 300 : i32
        %lt3A_136 = arith.cmpi slt, %add3A_134, %lt3A_135 : i32
        %convert_element_type3A_137 = arith.extui %lt3A_136 : i1 to i32
        %cond3A_138 = arith.constant 0 : i32
        %cond3A_139 = arith.cmpi ne, %convert_element_type3A_137, %cond3A_138 : i32
        scf.if %cond3A_139 {
          %mul3A_145 = arith.constant 300 : i32
          %mul3A_146 = arith.muli %select_n3A, %mul3A_145 : i32
          %add3A_147 = arith.addi %mul3A_146, %add3A_134 : i32
          %dma_start3A = arith.constant 0 : i32
          %dma_start3A_148 = tpu.memref_slice %arg2[%add3A_147, %dma_start3A] : memref<1200x16384xf32, #tpu.memory_space<hbm>> -> memref<1x16384xf32, #tpu.memory_space<hbm>>
          %dma_start3A_149 = tpu.memref_squeeze %dma_start3A_148 : memref<1x16384xf32, #tpu.memory_space<hbm>> -> memref<16384xf32, #tpu.memory_space<hbm>>
          %dma_start3A_150 = arith.constant 0 : i32
          %dma_start3A_151 = tpu.memref_slice %arg2[%add3A_147, %dma_start3A_150] : memref<1200x16384xf32, #tpu.memory_space<hbm>> -> memref<1x16384xf32, #tpu.memory_space<hbm>>
          %dma_start3A_152 = tpu.memref_squeeze %dma_start3A_151 : memref<1x16384xf32, #tpu.memory_space<hbm>> -> memref<16384xf32, #tpu.memory_space<hbm>>
          tpu.enqueue_dma source(%dma_start3A_152 : memref<16384xf32, #tpu.memory_space<hbm>>) target(%arg17 : memref<16384xf32, #tpu.memory_space<vmem>>) target_semaphore(%arg21 : memref<!tpu.dma_semaphore, #tpu.memory_space<semaphore_mem>>)
        } else {
        }
        %not3A_140 = arith.constant true
        %not3A_141 = arith.xori %lt3A_136, %not3A_140 : i1
        %convert_element_type3A_142 = arith.extui %not3A_141 : i1 to i32
        %cond3A_143 = arith.constant 0 : i32
        %cond3A_144 = arith.cmpi ne, %convert_element_type3A_142, %cond3A_143 : i32
        scf.if %cond3A_144 {
          %mul3A_145 = arith.constant 100 : i32
          %mul3A_146 = arith.muli %select_n3A, %mul3A_145 : i32
          %sub3A_147 = arith.constant 300 : i32
          %sub3A_148 = arith.subi %add3A_134, %sub3A_147 : i32
          %add3A_149 = arith.addi %mul3A_146, %sub3A_148 : i32
          %dma_start3A = arith.constant 0 : i32
          %dma_start3A_150 = tpu.memref_slice %arg3[%add3A_149, %dma_start3A] : memref<400x16384xf32, #tpu.memory_space<hbm>> -> memref<1x16384xf32, #tpu.memory_space<hbm>>
          %dma_start3A_151 = tpu.memref_squeeze %dma_start3A_150 : memref<1x16384xf32, #tpu.memory_space<hbm>> -> memref<16384xf32, #tpu.memory_space<hbm>>
          %dma_start3A_152 = arith.constant 0 : i32
          %dma_start3A_153 = tpu.memref_slice %arg3[%add3A_149, %dma_start3A_152] : memref<400x16384xf32, #tpu.memory_space<hbm>> -> memref<1x16384xf32, #tpu.memory_space<hbm>>
          %dma_start3A_154 = tpu.memref_squeeze %dma_start3A_153 : memref<1x16384xf32, #tpu.memory_space<hbm>> -> memref<16384xf32, #tpu.memory_space<hbm>>
          tpu.enqueue_dma source(%dma_start3A_154 : memref<16384xf32, #tpu.memory_space<hbm>>) target(%arg17 : memref<16384xf32, #tpu.memory_space<vmem>>) target_semaphore(%arg21 : memref<!tpu.dma_semaphore, #tpu.memory_space<semaphore_mem>>)
        } else {
        }
      } else {
      }
    }
    %scan3A_56 = arith.constant 25 : i32
    %dma_wait3A = arith.constant 0 : i32
    %dma_wait3A_57 = arith.constant 0 : i32
    %dma_wait3A_58 = tpu.memref_slice %arg9[%dma_wait3A, %dma_wait3A_57] : memref<1200x12544xf32, #tpu.memory_space<hbm>> -> memref<1x12544xf32, #tpu.memory_space<hbm>>
    %dma_wait3A_59 = tpu.memref_squeeze %dma_wait3A_58 : memref<1x12544xf32, #tpu.memory_space<hbm>> -> memref<12544xf32, #tpu.memory_space<hbm>>
    %dma_wait3A_60 = arith.constant 0 : i32
    %dma_wait3A_61 = tpu.memref_slice %arg9[%dma_wait3A, %dma_wait3A_60] : memref<1200x12544xf32, #tpu.memory_space<hbm>> -> memref<1x12544xf32, #tpu.memory_space<hbm>>
    %dma_wait3A_62 = tpu.memref_squeeze %dma_wait3A_61 : memref<1x12544xf32, #tpu.memory_space<hbm>> -> memref<12544xf32, #tpu.memory_space<hbm>>
    tpu.wait_dma2 semaphore(%arg22 : memref<!tpu.dma_semaphore, #tpu.memory_space<semaphore_mem>>) src(%arg18 : memref<12544xf32, #tpu.memory_space<vmem>>) dst(%dma_wait3A_62 : memref<12544xf32, #tpu.memory_space<hbm>>)
    %dma_wait3A_63 = arith.constant 0 : i32
    %dma_wait3A_64 = arith.constant 0 : i32
    %dma_wait3A_65 = tpu.memref_slice %arg9[%dma_wait3A_63, %dma_wait3A_64] : memref<1200x12544xf32, #tpu.memory_space<hbm>> -> memref<1x12544xf32, #tpu.memory_space<hbm>>
    %dma_wait3A_66 = tpu.memref_squeeze %dma_wait3A_65 : memref<1x12544xf32, #tpu.memory_space<hbm>> -> memref<12544xf32, #tpu.memory_space<hbm>>
    %dma_wait3A_67 = arith.constant 0 : i32
    %dma_wait3A_68 = tpu.memref_slice %arg9[%dma_wait3A_63, %dma_wait3A_67] : memref<1200x12544xf32, #tpu.memory_space<hbm>> -> memref<1x12544xf32, #tpu.memory_space<hbm>>
    %dma_wait3A_69 = tpu.memref_squeeze %dma_wait3A_68 : memref<1x12544xf32, #tpu.memory_space<hbm>> -> memref<12544xf32, #tpu.memory_space<hbm>>
    tpu.wait_dma2 semaphore(%arg23 : memref<!tpu.dma_semaphore, #tpu.memory_space<semaphore_mem>>) src(%arg19 : memref<12544xf32, #tpu.memory_space<vmem>>) dst(%dma_wait3A_69 : memref<12544xf32, #tpu.memory_space<hbm>>)
    return
  }
}

module attributes {stable_mosaic.version = 14 : i64} {
  func.func @_prep_body(%arg0: memref<4x12544xf32, #tpu.memory_space<vmem>>, %arg1: memref<4x12544xf32, #tpu.memory_space<vmem>>, %arg2: memref<4x12544xi32, #tpu.memory_space<vmem>>, %arg3: memref<4x12544xf32, #tpu.memory_space<vmem>>, %arg4: memref<4x12544xf32, #tpu.memory_space<vmem>>, %arg5: memref<4x12544xf32, #tpu.memory_space<vmem>>, %arg6: memref<4x12544xf32, #tpu.memory_space<vmem>>) attributes {dimension_semantics = [], scalar_prefetch = 0 : i64, scratch_operands = 0 : i64, tpu.core_type = #tpu.core_type<tc>} {
    %get3A = arith.constant 0 : index
    %get3A_0 = arith.constant 0 : index
    %get3A_1 = vector.load %arg0[%get3A, %get3A_0] : memref<4x12544xf32, #tpu.memory_space<vmem>>, vector<4x12544xf32>
    %get3A_2 = arith.constant 0 : index
    %get3A_3 = arith.constant 0 : index
    %get3A_4 = vector.load %arg1[%get3A_2, %get3A_3] : memref<4x12544xf32, #tpu.memory_space<vmem>>, vector<4x12544xf32>
    %mul3A = arith.constant 2.000000e+00 : f32
    %mul3A_5 = vector.broadcast %mul3A : f32 to vector<4x12544xf32>
    %mul3A_6 = arith.mulf %mul3A_5, %get3A_1 : vector<4x12544xf32>
    %sub3A = arith.constant 1.000000e+00 : f32
    %sub3A_7 = vector.broadcast %sub3A : f32 to vector<4x12544xf32>
    %sub3A_8 = arith.subf %mul3A_6, %sub3A_7 : vector<4x12544xf32>
    %mul3A_9 = arith.constant 2.000000e+00 : f32
    %mul3A_10 = vector.broadcast %mul3A_9 : f32 to vector<4x12544xf32>
    %mul3A_11 = arith.mulf %mul3A_10, %get3A_4 : vector<4x12544xf32>
    %sub3A_12 = arith.constant 1.000000e+00 : f32
    %sub3A_13 = vector.broadcast %sub3A_12 : f32 to vector<4x12544xf32>
    %sub3A_14 = arith.subf %mul3A_11, %sub3A_13 : vector<4x12544xf32>
    %add3A = arith.constant 1.000000e+00 : f32
    %add3A_15 = vector.broadcast %add3A : f32 to vector<4x12544xf32>
    %add3A_16 = arith.addf %sub3A_8, %add3A_15 : vector<4x12544xf32>
    %mul3A_17 = arith.constant 1.280000e+02 : f32
    %mul3A_18 = vector.broadcast %mul3A_17 : f32 to vector<4x12544xf32>
    %mul3A_19 = arith.mulf %add3A_16, %mul3A_18 : vector<4x12544xf32>
    %sub3A_20 = arith.constant 1.000000e+00 : f32
    %sub3A_21 = vector.broadcast %sub3A_20 : f32 to vector<4x12544xf32>
    %sub3A_22 = arith.subf %mul3A_19, %sub3A_21 : vector<4x12544xf32>
    %div3A = arith.constant 2.000000e+00 : f32
    %div3A_23 = vector.broadcast %div3A : f32 to vector<4x12544xf32>
    %div3A_24 = arith.divf %sub3A_22, %div3A_23 : vector<4x12544xf32>
    %add3A_25 = arith.constant 1.000000e+00 : f32
    %add3A_26 = vector.broadcast %add3A_25 : f32 to vector<4x12544xf32>
    %add3A_27 = arith.addf %sub3A_14, %add3A_26 : vector<4x12544xf32>
    %mul3A_28 = arith.constant 1.280000e+02 : f32
    %mul3A_29 = vector.broadcast %mul3A_28 : f32 to vector<4x12544xf32>
    %mul3A_30 = arith.mulf %add3A_27, %mul3A_29 : vector<4x12544xf32>
    %sub3A_31 = arith.constant 1.000000e+00 : f32
    %sub3A_32 = vector.broadcast %sub3A_31 : f32 to vector<4x12544xf32>
    %sub3A_33 = arith.subf %mul3A_30, %sub3A_32 : vector<4x12544xf32>
    %div3A_34 = arith.constant 2.000000e+00 : f32
    %div3A_35 = vector.broadcast %div3A_34 : f32 to vector<4x12544xf32>
    %div3A_36 = arith.divf %sub3A_33, %div3A_35 : vector<4x12544xf32>
    %floor3A = math.floor %div3A_24 : vector<4x12544xf32>
    %floor3A_37 = math.floor %div3A_36 : vector<4x12544xf32>
    %add3A_38 = arith.constant 1.000000e+00 : f32
    %add3A_39 = vector.broadcast %add3A_38 : f32 to vector<4x12544xf32>
    %add3A_40 = arith.addf %floor3A, %add3A_39 : vector<4x12544xf32>
    %add3A_41 = arith.constant 1.000000e+00 : f32
    %add3A_42 = vector.broadcast %add3A_41 : f32 to vector<4x12544xf32>
    %add3A_43 = arith.addf %floor3A_37, %add3A_42 : vector<4x12544xf32>
    %sub3A_44 = arith.subf %div3A_24, %floor3A : vector<4x12544xf32>
    %sub3A_45 = arith.constant 1.000000e+00 : f32
    %sub3A_46 = vector.broadcast %sub3A_45 : f32 to vector<4x12544xf32>
    %sub3A_47 = arith.subf %sub3A_46, %sub3A_44 : vector<4x12544xf32>
    %sub3A_48 = arith.subf %div3A_36, %floor3A_37 : vector<4x12544xf32>
    %sub3A_49 = arith.constant 1.000000e+00 : f32
    %sub3A_50 = vector.broadcast %sub3A_49 : f32 to vector<4x12544xf32>
    %sub3A_51 = arith.subf %sub3A_50, %sub3A_48 : vector<4x12544xf32>
    %jit3A = arith.constant 0 : i32
    %jit3A_52 = arith.constant 127 : i32
    %convert_element_type3A = arith.sitofp %jit3A : i32 to f32
    %max3A = vector.broadcast %convert_element_type3A : f32 to vector<4x12544xf32>
    %max3A_53 = arith.maximumf %max3A, %floor3A : vector<4x12544xf32>
    %convert_element_type3A_54 = arith.sitofp %jit3A_52 : i32 to f32
    %min3A = vector.broadcast %convert_element_type3A_54 : f32 to vector<4x12544xf32>
    %min3A_55 = arith.minimumf %min3A, %max3A_53 : vector<4x12544xf32>
    %convert_element_type3A_56 = arith.fptosi %min3A_55 : vector<4x12544xf32> to vector<4x12544xi32>
    %jit3A_57 = arith.constant 0 : i32
    %jit3A_58 = arith.constant 127 : i32
    %convert_element_type3A_59 = arith.sitofp %jit3A_57 : i32 to f32
    %max3A_60 = vector.broadcast %convert_element_type3A_59 : f32 to vector<4x12544xf32>
    %max3A_61 = arith.maximumf %max3A_60, %add3A_40 : vector<4x12544xf32>
    %convert_element_type3A_62 = arith.sitofp %jit3A_58 : i32 to f32
    %min3A_63 = vector.broadcast %convert_element_type3A_62 : f32 to vector<4x12544xf32>
    %min3A_64 = arith.minimumf %min3A_63, %max3A_61 : vector<4x12544xf32>
    %convert_element_type3A_65 = arith.fptosi %min3A_64 : vector<4x12544xf32> to vector<4x12544xi32>
    %jit3A_66 = arith.constant 0 : i32
    %jit3A_67 = arith.constant 127 : i32
    %convert_element_type3A_68 = arith.sitofp %jit3A_66 : i32 to f32
    %max3A_69 = vector.broadcast %convert_element_type3A_68 : f32 to vector<4x12544xf32>
    %max3A_70 = arith.maximumf %max3A_69, %floor3A_37 : vector<4x12544xf32>
    %convert_element_type3A_71 = arith.sitofp %jit3A_67 : i32 to f32
    %min3A_72 = vector.broadcast %convert_element_type3A_71 : f32 to vector<4x12544xf32>
    %min3A_73 = arith.minimumf %min3A_72, %max3A_70 : vector<4x12544xf32>
    %convert_element_type3A_74 = arith.fptosi %min3A_73 : vector<4x12544xf32> to vector<4x12544xi32>
    %jit3A_75 = arith.constant 0 : i32
    %jit3A_76 = arith.constant 127 : i32
    %convert_element_type3A_77 = arith.sitofp %jit3A_75 : i32 to f32
    %max3A_78 = vector.broadcast %convert_element_type3A_77 : f32 to vector<4x12544xf32>
    %max3A_79 = arith.maximumf %max3A_78, %add3A_43 : vector<4x12544xf32>
    %convert_element_type3A_80 = arith.sitofp %jit3A_76 : i32 to f32
    %min3A_81 = vector.broadcast %convert_element_type3A_80 : f32 to vector<4x12544xf32>
    %min3A_82 = arith.minimumf %min3A_81, %max3A_79 : vector<4x12544xf32>
    %convert_element_type3A_83 = arith.fptosi %min3A_82 : vector<4x12544xf32> to vector<4x12544xi32>
    %mul3A_84 = arith.constant 128 : i32
    %mul3A_85 = vector.broadcast %mul3A_84 : i32 to vector<4x12544xi32>
    %mul3A_86 = arith.muli %convert_element_type3A_74, %mul3A_85 : vector<4x12544xi32>
    %add3A_87 = arith.addi %mul3A_86, %convert_element_type3A_56 : vector<4x12544xi32>
    %sub3A_88 = arith.subi %convert_element_type3A_65, %convert_element_type3A_56 : vector<4x12544xi32>
    %sub3A_89 = arith.subi %convert_element_type3A_83, %convert_element_type3A_74 : vector<4x12544xi32>
    %shift_left3A = arith.constant 14 : i32
    %shift_left3A_90 = vector.broadcast %shift_left3A : i32 to vector<4x12544xi32>
    %shift_left3A_91 = arith.shli %sub3A_88, %shift_left3A_90 : vector<4x12544xi32>
    %or3A = arith.ori %add3A_87, %shift_left3A_91 : vector<4x12544xi32>
    %shift_left3A_92 = arith.constant 15 : i32
    %shift_left3A_93 = vector.broadcast %shift_left3A_92 : i32 to vector<4x12544xi32>
    %shift_left3A_94 = arith.shli %sub3A_89, %shift_left3A_93 : vector<4x12544xi32>
    %or3A_95 = arith.ori %or3A, %shift_left3A_94 : vector<4x12544xi32>
    %swap3A = arith.constant 0 : index
    %swap3A_96 = arith.constant 0 : index
    %swap3A_97 = vector.load %arg2[%swap3A, %swap3A_96] : memref<4x12544xi32, #tpu.memory_space<vmem>>, vector<4x12544xi32>
    tpu.vector_store %arg2[%swap3A, %swap3A_96], %or3A_95 {strides = array<i32>} : memref<4x12544xi32, #tpu.memory_space<vmem>>, vector<4x12544xi32>,
    %mul3A_98 = arith.mulf %sub3A_51, %sub3A_47 : vector<4x12544xf32>
    %ge3A = arith.constant 0.000000e+00 : f32
    %ge3A_99 = vector.broadcast %ge3A : f32 to vector<4x12544xf32>
    %ge3A_100 = arith.cmpf oge, %floor3A, %ge3A_99 : vector<4x12544xf32>
    %le3A = arith.constant 1.270000e+02 : f32
    %le3A_101 = vector.broadcast %le3A : f32 to vector<4x12544xf32>
    %le3A_102 = arith.cmpf ole, %floor3A, %le3A_101 : vector<4x12544xf32>
    %and3A = arith.andi %ge3A_100, %le3A_102 : vector<4x12544xi1>
    %ge3A_103 = arith.constant 0.000000e+00 : f32
    %ge3A_104 = vector.broadcast %ge3A_103 : f32 to vector<4x12544xf32>
    %ge3A_105 = arith.cmpf oge, %floor3A_37, %ge3A_104 : vector<4x12544xf32>
    %and3A_106 = arith.andi %and3A, %ge3A_105 : vector<4x12544xi1>
    %le3A_107 = arith.constant 1.270000e+02 : f32
    %le3A_108 = vector.broadcast %le3A_107 : f32 to vector<4x12544xf32>
    %le3A_109 = arith.cmpf ole, %floor3A_37, %le3A_108 : vector<4x12544xf32>
    %and3A_110 = arith.andi %and3A_106, %le3A_109 : vector<4x12544xi1>
    %convert_element_type3A_111 = arith.extui %and3A_110 : vector<4x12544xi1> to vector<4x12544xi32>
    %convert_element_type3A_112 = arith.sitofp %convert_element_type3A_111 : vector<4x12544xi32> to vector<4x12544xf32>
    %mul3A_113 = arith.mulf %mul3A_98, %convert_element_type3A_112 : vector<4x12544xf32>
    %swap3A_114 = arith.constant 0 : index
    %swap3A_115 = arith.constant 0 : index
    %swap3A_116 = vector.load %arg3[%swap3A_114, %swap3A_115] : memref<4x12544xf32, #tpu.memory_space<vmem>>, vector<4x12544xf32>
    tpu.vector_store %arg3[%swap3A_114, %swap3A_115], %mul3A_113 {strides = array<i32>} : memref<4x12544xf32, #tpu.memory_space<vmem>>, vector<4x12544xf32>,
    %mul3A_117 = arith.mulf %sub3A_51, %sub3A_44 : vector<4x12544xf32>
    %ge3A_118 = arith.constant 0.000000e+00 : f32
    %ge3A_119 = vector.broadcast %ge3A_118 : f32 to vector<4x12544xf32>
    %ge3A_120 = arith.cmpf oge, %add3A_40, %ge3A_119 : vector<4x12544xf32>
    %le3A_121 = arith.constant 1.270000e+02 : f32
    %le3A_122 = vector.broadcast %le3A_121 : f32 to vector<4x12544xf32>
    %le3A_123 = arith.cmpf ole, %add3A_40, %le3A_122 : vector<4x12544xf32>
    %and3A_124 = arith.andi %ge3A_120, %le3A_123 : vector<4x12544xi1>
    %ge3A_125 = arith.constant 0.000000e+00 : f32
    %ge3A_126 = vector.broadcast %ge3A_125 : f32 to vector<4x12544xf32>
    %ge3A_127 = arith.cmpf oge, %floor3A_37, %ge3A_126 : vector<4x12544xf32>
    %and3A_128 = arith.andi %and3A_124, %ge3A_127 : vector<4x12544xi1>
    %le3A_129 = arith.constant 1.270000e+02 : f32
    %le3A_130 = vector.broadcast %le3A_129 : f32 to vector<4x12544xf32>
    %le3A_131 = arith.cmpf ole, %floor3A_37, %le3A_130 : vector<4x12544xf32>
    %and3A_132 = arith.andi %and3A_128, %le3A_131 : vector<4x12544xi1>
    %convert_element_type3A_133 = arith.extui %and3A_132 : vector<4x12544xi1> to vector<4x12544xi32>
    %convert_element_type3A_134 = arith.sitofp %convert_element_type3A_133 : vector<4x12544xi32> to vector<4x12544xf32>
    %mul3A_135 = arith.mulf %mul3A_117, %convert_element_type3A_134 : vector<4x12544xf32>
    %swap3A_136 = arith.constant 0 : index
    %swap3A_137 = arith.constant 0 : index
    %swap3A_138 = vector.load %arg4[%swap3A_136, %swap3A_137] : memref<4x12544xf32, #tpu.memory_space<vmem>>, vector<4x12544xf32>
    tpu.vector_store %arg4[%swap3A_136, %swap3A_137], %mul3A_135 {strides = array<i32>} : memref<4x12544xf32, #tpu.memory_space<vmem>>, vector<4x12544xf32>,
    %mul3A_139 = arith.mulf %sub3A_48, %sub3A_47 : vector<4x12544xf32>
    %ge3A_140 = arith.constant 0.000000e+00 : f32
    %ge3A_141 = vector.broadcast %ge3A_140 : f32 to vector<4x12544xf32>
    %ge3A_142 = arith.cmpf oge, %floor3A, %ge3A_141 : vector<4x12544xf32>
    %le3A_143 = arith.constant 1.270000e+02 : f32
    %le3A_144 = vector.broadcast %le3A_143 : f32 to vector<4x12544xf32>
    %le3A_145 = arith.cmpf ole, %floor3A, %le3A_144 : vector<4x12544xf32>
    %and3A_146 = arith.andi %ge3A_142, %le3A_145 : vector<4x12544xi1>
    %ge3A_147 = arith.constant 0.000000e+00 : f32
    %ge3A_148 = vector.broadcast %ge3A_147 : f32 to vector<4x12544xf32>
    %ge3A_149 = arith.cmpf oge, %add3A_43, %ge3A_148 : vector<4x12544xf32>
    %and3A_150 = arith.andi %and3A_146, %ge3A_149 : vector<4x12544xi1>
    %le3A_151 = arith.constant 1.270000e+02 : f32
    %le3A_152 = vector.broadcast %le3A_151 : f32 to vector<4x12544xf32>
    %le3A_153 = arith.cmpf ole, %add3A_43, %le3A_152 : vector<4x12544xf32>
    %and3A_154 = arith.andi %and3A_150, %le3A_153 : vector<4x12544xi1>
    %convert_element_type3A_155 = arith.extui %and3A_154 : vector<4x12544xi1> to vector<4x12544xi32>
    %convert_element_type3A_156 = arith.sitofp %convert_element_type3A_155 : vector<4x12544xi32> to vector<4x12544xf32>
    %mul3A_157 = arith.mulf %mul3A_139, %convert_element_type3A_156 : vector<4x12544xf32>
    %swap3A_158 = arith.constant 0 : index
    %swap3A_159 = arith.constant 0 : index
    %swap3A_160 = vector.load %arg5[%swap3A_158, %swap3A_159] : memref<4x12544xf32, #tpu.memory_space<vmem>>, vector<4x12544xf32>
    tpu.vector_store %arg5[%swap3A_158, %swap3A_159], %mul3A_157 {strides = array<i32>} : memref<4x12544xf32, #tpu.memory_space<vmem>>, vector<4x12544xf32>,
    %mul3A_161 = arith.mulf %sub3A_48, %sub3A_44 : vector<4x12544xf32>
    %ge3A_162 = arith.constant 0.000000e+00 : f32
    %ge3A_163 = vector.broadcast %ge3A_162 : f32 to vector<4x12544xf32>
    %ge3A_164 = arith.cmpf oge, %add3A_40, %ge3A_163 : vector<4x12544xf32>
    %le3A_165 = arith.constant 1.270000e+02 : f32
    %le3A_166 = vector.broadcast %le3A_165 : f32 to vector<4x12544xf32>
    %le3A_167 = arith.cmpf ole, %add3A_40, %le3A_166 : vector<4x12544xf32>
    %and3A_168 = arith.andi %ge3A_164, %le3A_167 : vector<4x12544xi1>
    %ge3A_169 = arith.constant 0.000000e+00 : f32
    %ge3A_170 = vector.broadcast %ge3A_169 : f32 to vector<4x12544xf32>
    %ge3A_171 = arith.cmpf oge, %add3A_43, %ge3A_170 : vector<4x12544xf32>
    %and3A_172 = arith.andi %and3A_168, %ge3A_171 : vector<4x12544xi1>
    %le3A_173 = arith.constant 1.270000e+02 : f32
    %le3A_174 = vector.broadcast %le3A_173 : f32 to vector<4x12544xf32>
    %le3A_175 = arith.cmpf ole, %add3A_43, %le3A_174 : vector<4x12544xf32>
    %and3A_176 = arith.andi %and3A_172, %le3A_175 : vector<4x12544xi1>
    %convert_element_type3A_177 = arith.extui %and3A_176 : vector<4x12544xi1> to vector<4x12544xi32>
    %convert_element_type3A_178 = arith.sitofp %convert_element_type3A_177 : vector<4x12544xi32> to vector<4x12544xf32>
    %mul3A_179 = arith.mulf %mul3A_161, %convert_element_type3A_178 : vector<4x12544xf32>
    %swap3A_180 = arith.constant 0 : index
    %swap3A_181 = arith.constant 0 : index
    %swap3A_182 = vector.load %arg6[%swap3A_180, %swap3A_181] : memref<4x12544xf32, #tpu.memory_space<vmem>>, vector<4x12544xf32>
    tpu.vector_store %arg6[%swap3A_180, %swap3A_181], %mul3A_179 {strides = array<i32>} : memref<4x12544xf32, #tpu.memory_space<vmem>>, vector<4x12544xf32>,
    return
  }
}

module attributes {stable_mosaic.version = 14 : i64} {
  func.func @_cost_body(%arg0: i32, %arg1: i32, %arg2: memref<1x300x1792xf32, #tpu.memory_space<vmem>>, %arg3: memref<1x100x1792xf32, #tpu.memory_space<vmem>>, %arg4: memref<1x1x300xf32, #tpu.memory_space<vmem>>, %arg5: memref<1x1x300xi32, #tpu.memory_space<vmem>>, %arg6: memref<300x100xf32, #tpu.memory_space<vmem>>, %arg7: memref<300x128xf32, #tpu.memory_space<vmem>>, %arg8: memref<100x128xf32, #tpu.memory_space<vmem>>) attributes {dimension_semantics = [#tpu.dimension_semantics<arbitrary>, #tpu.dimension_semantics<arbitrary>], iteration_bounds = array<i64: 4, 7>, scalar_prefetch = 0 : i64, scratch_operands = 3 : i64, tpu.core_type = #tpu.core_type<tc>, window_params = [{transform_indices = @transform_0, window_bounds = array<i64: 1, 300, 1792>}, {transform_indices = @transform_1, window_bounds = array<i64: 1, 100, 1792>}, {transform_indices = @transform_2, window_bounds = array<i64: 1, 1, 300>}, {transform_indices = @transform_3, window_bounds = array<i64: 1, 1, 300>}]} {
    %eq3A = arith.constant 0 : i32
    %eq3A_0 = arith.cmpi eq, %arg1, %eq3A : i32
    %convert_element_type3A = arith.extui %eq3A_0 : i1 to i32
    %cond3A = arith.constant 0 : i32
    %cond3A_1 = arith.cmpi ne, %convert_element_type3A, %cond3A : i32
    scf.if %cond3A_1 {
      %broadcast_in_dim3A = arith.constant 0.000000e+00 : f32
      %broadcast_in_dim3A_98 = vector.broadcast %broadcast_in_dim3A : f32 to vector<300x100xf32>
      %swap3A_99 = arith.constant 0 : index
      %swap3A_100 = arith.constant 0 : index
      %swap3A_101 = vector.load %arg6[%swap3A_99, %swap3A_100] : memref<300x100xf32, #tpu.memory_space<vmem>>, vector<300x100xf32>
      tpu.vector_store %arg6[%swap3A_99, %swap3A_100], %broadcast_in_dim3A_98 {strides = array<i32>} : memref<300x100xf32, #tpu.memory_space<vmem>>, vector<300x100xf32>,
      %broadcast_in_dim3A_102 = arith.constant 0.000000e+00 : f32
      %broadcast_in_dim3A_103 = vector.broadcast %broadcast_in_dim3A_102 : f32 to vector<300x128xf32>
      %swap3A_104 = arith.constant 0 : index
      %swap3A_105 = arith.constant 0 : index
      %swap3A_106 = vector.load %arg7[%swap3A_104, %swap3A_105] : memref<300x128xf32, #tpu.memory_space<vmem>>, vector<300x128xf32>
      tpu.vector_store %arg7[%swap3A_104, %swap3A_105], %broadcast_in_dim3A_103 {strides = array<i32>} : memref<300x128xf32, #tpu.memory_space<vmem>>, vector<300x128xf32>,
      %broadcast_in_dim3A_107 = arith.constant 0.000000e+00 : f32
      %broadcast_in_dim3A_108 = vector.broadcast %broadcast_in_dim3A_107 : f32 to vector<100x128xf32>
      %swap3A_109 = arith.constant 0 : index
      %swap3A_110 = arith.constant 0 : index
      %swap3A_111 = vector.load %arg8[%swap3A_109, %swap3A_110] : memref<100x128xf32, #tpu.memory_space<vmem>>, vector<100x128xf32>
      tpu.vector_store %arg8[%swap3A_109, %swap3A_110], %broadcast_in_dim3A_108 {strides = array<i32>} : memref<100x128xf32, #tpu.memory_space<vmem>>, vector<100x128xf32>,
    } else {
    }
    %get3A = arith.constant 0 : index
    %get3A_2 = arith.constant 0 : index
    %get3A_3 = arith.constant 0 : index
    %get3A_4 = vector.load %arg2[%get3A, %get3A_2, %get3A_3] : memref<1x300x1792xf32, #tpu.memory_space<vmem>>, vector<1x300x1792xf32>
    %get3A_5 = vector.shape_cast %get3A_4 : vector<1x300x1792xf32> to vector<300x1792xf32>
    %neg3A = arith.constant 0.000000e+00 : f32
    %neg3A_6 = vector.broadcast %neg3A : f32 to vector<300x1792xf32>
    %neg3A_7 = arith.subf %neg3A_6, %get3A_5 : vector<300x1792xf32>
    %exp3A = math.exp %neg3A_7 : vector<300x1792xf32>
    %add3A = arith.constant 1.000000e+00 : f32
    %add3A_8 = vector.broadcast %add3A : f32 to vector<300x1792xf32>
    %add3A_9 = arith.addf %add3A_8, %exp3A : vector<300x1792xf32>
    %div3A = arith.constant 1.000000e+00 : f32
    %div3A_10 = vector.broadcast %div3A : f32 to vector<300x1792xf32>
    %div3A_11 = arith.divf %div3A_10, %add3A_9 : vector<300x1792xf32>
    %get3A_12 = arith.constant 0 : index
    %get3A_13 = arith.constant 0 : index
    %get3A_14 = arith.constant 0 : index
    %get3A_15 = vector.load %arg3[%get3A_12, %get3A_13, %get3A_14] : memref<1x100x1792xf32, #tpu.memory_space<vmem>>, vector<1x100x1792xf32>
    %get3A_16 = vector.shape_cast %get3A_15 : vector<1x100x1792xf32> to vector<100x1792xf32>
    %get3A_17 = arith.constant 0 : index
    %get3A_18 = arith.constant 0 : index
    %get3A_19 = vector.load %arg6[%get3A_17, %get3A_18] : memref<300x100xf32, #tpu.memory_space<vmem>>, vector<300x100xf32>
    %convert_element_type3A_20 = arith.truncf %div3A_11 : vector<300x1792xf32> to vector<300x1792xbf16>
    %convert_element_type3A_21 = arith.truncf %get3A_16 : vector<100x1792xf32> to vector<100x1792xbf16>
    %dot_general3A = arith.constant dense<0.000000e+00> : vector<300x100xf32>
    %dot_general3A_22 = tpu.matmul %convert_element_type3A_20, %convert_element_type3A_21, %dot_general3A {dimension_numbers = #tpu.dot_dimension_numbers<[1], [1], [0], [0], [0, 0, 1, 0], [], []>, transpose_lhs_hint = false} : vector<300x1792xbf16>, vector<100x1792xbf16>, vector<300x100xf32> -> vector<300x100xf32>
    %add3A_23 = arith.addf %get3A_19, %dot_general3A_22 : vector<300x100xf32>
    %swap3A = arith.constant 0 : index
    %swap3A_24 = arith.constant 0 : index
    %swap3A_25 = vector.load %arg6[%swap3A, %swap3A_24] : memref<300x100xf32, #tpu.memory_space<vmem>>, vector<300x100xf32>
    tpu.vector_store %arg6[%swap3A, %swap3A_24], %add3A_23 {strides = array<i32>} : memref<300x100xf32, #tpu.memory_space<vmem>>, vector<300x100xf32>,
    %get3A_26 = arith.constant 0 : index
    %get3A_27 = arith.constant 0 : index
    %get3A_28 = vector.load %arg7[%get3A_26, %get3A_27] : memref<300x128xf32, #tpu.memory_space<vmem>>, vector<300x128xf32>
    %get3A_29 = arith.constant 0 : index
    %get3A_30 = arith.constant 0 : index
    %get3A_31 = vector.load %arg8[%get3A_29, %get3A_30] : memref<100x128xf32, #tpu.memory_space<vmem>>, vector<100x128xf32>
    %slice3A = vector.extract_strided_slice %div3A_11 {offsets = [0, 0], sizes = [300, 128], strides = [1, 1]} : vector<300x1792xf32> to vector<300x128xf32>
    %add3A_32 = arith.addf %get3A_28, %slice3A : vector<300x128xf32>
    %slice3A_33 = vector.extract_strided_slice %get3A_16 {offsets = [0, 0], sizes = [100, 128], strides = [1, 1]} : vector<100x1792xf32> to vector<100x128xf32>
    %add3A_34 = arith.addf %get3A_31, %slice3A_33 : vector<100x128xf32>
    %slice3A_35 = vector.extract_strided_slice %div3A_11 {offsets = [0, 128], sizes = [300, 128], strides = [1, 1]} : vector<300x1792xf32> to vector<300x128xf32>
    %add3A_36 = arith.addf %add3A_32, %slice3A_35 : vector<300x128xf32>
    %slice3A_37 = vector.extract_strided_slice %get3A_16 {offsets = [0, 128], sizes = [100, 128], strides = [1, 1]} : vector<100x1792xf32> to vector<100x128xf32>
    %add3A_38 = arith.addf %add3A_34, %slice3A_37 : vector<100x128xf32>
    %slice3A_39 = vector.extract_strided_slice %div3A_11 {offsets = [0, 256], sizes = [300, 128], strides = [1, 1]} : vector<300x1792xf32> to vector<300x128xf32>
    %add3A_40 = arith.addf %add3A_36, %slice3A_39 : vector<300x128xf32>
    %slice3A_41 = vector.extract_strided_slice %get3A_16 {offsets = [0, 256], sizes = [100, 128], strides = [1, 1]} : vector<100x1792xf32> to vector<100x128xf32>
    %add3A_42 = arith.addf %add3A_38, %slice3A_41 : vector<100x128xf32>
    %slice3A_43 = vector.extract_strided_slice %div3A_11 {offsets = [0, 384], sizes = [300, 128], strides = [1, 1]} : vector<300x1792xf32> to vector<300x128xf32>
    %add3A_44 = arith.addf %add3A_40, %slice3A_43 : vector<300x128xf32>
    %slice3A_45 = vector.extract_strided_slice %get3A_16 {offsets = [0, 384], sizes = [100, 128], strides = [1, 1]} : vector<100x1792xf32> to vector<100x128xf32>
    %add3A_46 = arith.addf %add3A_42, %slice3A_45 : vector<100x128xf32>
    %slice3A_47 = vector.extract_strided_slice %div3A_11 {offsets = [0, 512], sizes = [300, 128], strides = [1, 1]} : vector<300x1792xf32> to vector<300x128xf32>
    %add3A_48 = arith.addf %add3A_44, %slice3A_47 : vector<300x128xf32>
    %slice3A_49 = vector.extract_strided_slice %get3A_16 {offsets = [0, 512], sizes = [100, 128], strides = [1, 1]} : vector<100x1792xf32> to vector<100x128xf32>
    %add3A_50 = arith.addf %add3A_46, %slice3A_49 : vector<100x128xf32>
    %slice3A_51 = vector.extract_strided_slice %div3A_11 {offsets = [0, 640], sizes = [300, 128], strides = [1, 1]} : vector<300x1792xf32> to vector<300x128xf32>
    %add3A_52 = arith.addf %add3A_48, %slice3A_51 : vector<300x128xf32>
    %slice3A_53 = vector.extract_strided_slice %get3A_16 {offsets = [0, 640], sizes = [100, 128], strides = [1, 1]} : vector<100x1792xf32> to vector<100x128xf32>
    %add3A_54 = arith.addf %add3A_50, %slice3A_53 : vector<100x128xf32>
    %slice3A_55 = vector.extract_strided_slice %div3A_11 {offsets = [0, 768], sizes = [300, 128], strides = [1, 1]} : vector<300x1792xf32> to vector<300x128xf32>
    %add3A_56 = arith.addf %add3A_52, %slice3A_55 : vector<300x128xf32>
    %slice3A_57 = vector.extract_strided_slice %get3A_16 {offsets = [0, 768], sizes = [100, 128], strides = [1, 1]} : vector<100x1792xf32> to vector<100x128xf32>
    %add3A_58 = arith.addf %add3A_54, %slice3A_57 : vector<100x128xf32>
    %slice3A_59 = vector.extract_strided_slice %div3A_11 {offsets = [0, 896], sizes = [300, 128], strides = [1, 1]} : vector<300x1792xf32> to vector<300x128xf32>
    %add3A_60 = arith.addf %add3A_56, %slice3A_59 : vector<300x128xf32>
    %slice3A_61 = vector.extract_strided_slice %get3A_16 {offsets = [0, 896], sizes = [100, 128], strides = [1, 1]} : vector<100x1792xf32> to vector<100x128xf32>
    %add3A_62 = arith.addf %add3A_58, %slice3A_61 : vector<100x128xf32>
    %slice3A_63 = vector.extract_strided_slice %div3A_11 {offsets = [0, 1024], sizes = [300, 128], strides = [1, 1]} : vector<300x1792xf32> to vector<300x128xf32>
    %add3A_64 = arith.addf %add3A_60, %slice3A_63 : vector<300x128xf32>
    %slice3A_65 = vector.extract_strided_slice %get3A_16 {offsets = [0, 1024], sizes = [100, 128], strides = [1, 1]} : vector<100x1792xf32> to vector<100x128xf32>
    %add3A_66 = arith.addf %add3A_62, %slice3A_65 : vector<100x128xf32>
    %slice3A_67 = vector.extract_strided_slice %div3A_11 {offsets = [0, 1152], sizes = [300, 128], strides = [1, 1]} : vector<300x1792xf32> to vector<300x128xf32>
    %add3A_68 = arith.addf %add3A_64, %slice3A_67 : vector<300x128xf32>
    %slice3A_69 = vector.extract_strided_slice %get3A_16 {offsets = [0, 1152], sizes = [100, 128], strides = [1, 1]} : vector<100x1792xf32> to vector<100x128xf32>
    %add3A_70 = arith.addf %add3A_66, %slice3A_69 : vector<100x128xf32>
    %slice3A_71 = vector.extract_strided_slice %div3A_11 {offsets = [0, 1280], sizes = [300, 128], strides = [1, 1]} : vector<300x1792xf32> to vector<300x128xf32>
    %add3A_72 = arith.addf %add3A_68, %slice3A_71 : vector<300x128xf32>
    %slice3A_73 = vector.extract_strided_slice %get3A_16 {offsets = [0, 1280], sizes = [100, 128], strides = [1, 1]} : vector<100x1792xf32> to vector<100x128xf32>
    %add3A_74 = arith.addf %add3A_70, %slice3A_73 : vector<100x128xf32>
    %slice3A_75 = vector.extract_strided_slice %div3A_11 {offsets = [0, 1408], sizes = [300, 128], strides = [1, 1]} : vector<300x1792xf32> to vector<300x128xf32>
    %add3A_76 = arith.addf %add3A_72, %slice3A_75 : vector<300x128xf32>
    %slice3A_77 = vector.extract_strided_slice %get3A_16 {offsets = [0, 1408], sizes = [100, 128], strides = [1, 1]} : vector<100x1792xf32> to vector<100x128xf32>
    %add3A_78 = arith.addf %add3A_74, %slice3A_77 : vector<100x128xf32>
    %slice3A_79 = vector.extract_strided_slice %div3A_11 {offsets = [0, 1536], sizes = [300, 128], strides = [1, 1]} : vector<300x1792xf32> to vector<300x128xf32>
    %add3A_80 = arith.addf %add3A_76, %slice3A_79 : vector<300x128xf32>
    %slice3A_81 = vector.extract_strided_slice %get3A_16 {offsets = [0, 1536], sizes = [100, 128], strides = [1, 1]} : vector<100x1792xf32> to vector<100x128xf32>
    %add3A_82 = arith.addf %add3A_78, %slice3A_81 : vector<100x128xf32>
    %slice3A_83 = vector.extract_strided_slice %div3A_11 {offsets = [0, 1664], sizes = [300, 128], strides = [1, 1]} : vector<300x1792xf32> to vector<300x128xf32>
    %add3A_84 = arith.addf %add3A_80, %slice3A_83 : vector<300x128xf32>
    %slice3A_85 = vector.extract_strided_slice %get3A_16 {offsets = [0, 1664], sizes = [100, 128], strides = [1, 1]} : vector<100x1792xf32> to vector<100x128xf32>
    %add3A_86 = arith.addf %add3A_82, %slice3A_85 : vector<100x128xf32>
    %swap3A_87 = arith.constant 0 : index
    %swap3A_88 = arith.constant 0 : index
    %swap3A_89 = vector.load %arg7[%swap3A_87, %swap3A_88] : memref<300x128xf32, #tpu.memory_space<vmem>>, vector<300x128xf32>
    tpu.vector_store %arg7[%swap3A_87, %swap3A_88], %add3A_84 {strides = array<i32>} : memref<300x128xf32, #tpu.memory_space<vmem>>, vector<300x128xf32>,
    %swap3A_90 = arith.constant 0 : index
    %swap3A_91 = arith.constant 0 : index
    %swap3A_92 = vector.load %arg8[%swap3A_90, %swap3A_91] : memref<100x128xf32, #tpu.memory_space<vmem>>, vector<100x128xf32>
    tpu.vector_store %arg8[%swap3A_90, %swap3A_91], %add3A_86 {strides = array<i32>} : memref<100x128xf32, #tpu.memory_space<vmem>>, vector<100x128xf32>,
    %eq3A_93 = arith.constant 6 : i32
    %eq3A_94 = arith.cmpi eq, %arg1, %eq3A_93 : i32
    %convert_element_type3A_95 = arith.extui %eq3A_94 : i1 to i32
    %cond3A_96 = arith.constant 0 : i32
    %cond3A_97 = arith.cmpi ne, %convert_element_type3A_95, %cond3A_96 : i32
    scf.if %cond3A_97 {
      %get3A_98 = arith.constant 0 : index
      %get3A_99 = arith.constant 0 : index
      %get3A_100 = vector.load %arg6[%get3A_98, %get3A_99] : memref<300x100xf32, #tpu.memory_space<vmem>>, vector<300x100xf32>
      %get3A_101 = arith.constant 0 : index
      %get3A_102 = arith.constant 0 : index
      %get3A_103 = vector.load %arg7[%get3A_101, %get3A_102] : memref<300x128xf32, #tpu.memory_space<vmem>>, vector<300x128xf32>
      %reduce_sum3A = arith.constant dense<0.000000e+00> : vector<300xf32>
      %reduce_sum3A_104 = vector.multi_reduction <add>, %get3A_103, %reduce_sum3A [1] : vector<300x128xf32> to vector<300xf32>
      %get3A_105 = arith.constant 0 : index
      %get3A_106 = arith.constant 0 : index
      %get3A_107 = vector.load %arg8[%get3A_105, %get3A_106] : memref<100x128xf32, #tpu.memory_space<vmem>>, vector<100x128xf32>
      %reduce_sum3A_108 = arith.constant dense<0.000000e+00> : vector<100xf32>
      %reduce_sum3A_109 = vector.multi_reduction <add>, %get3A_107, %reduce_sum3A_108 [1] : vector<100x128xf32> to vector<100xf32>
      %broadcast_in_dim3A = vector.shape_cast %reduce_sum3A_104 : vector<300xf32> to vector<300x1xf32>
      %broadcast_in_dim3A_110 = vector.shape_cast %reduce_sum3A_109 : vector<100xf32> to vector<1x100xf32>
      %add3A_111 = vector.broadcast %broadcast_in_dim3A : vector<300x1xf32> to vector<300x100xf32>
      %add3A_112 = vector.broadcast %broadcast_in_dim3A_110 : vector<1x100xf32> to vector<300x100xf32>
      %add3A_113 = arith.addf %add3A_111, %add3A_112 : vector<300x100xf32>
      %mul3A = arith.constant 2.000000e+00 : f32
      %mul3A_114 = vector.broadcast %mul3A : f32 to vector<300x100xf32>
      %mul3A_115 = arith.mulf %mul3A_114, %get3A_100 : vector<300x100xf32>
      %add3A_116 = arith.constant 1.000000e+00 : f32
      %add3A_117 = vector.broadcast %add3A_116 : f32 to vector<300x100xf32>
      %add3A_118 = arith.addf %mul3A_115, %add3A_117 : vector<300x100xf32>
      %add3A_119 = arith.constant 1.000000e+00 : f32
      %add3A_120 = vector.broadcast %add3A_119 : f32 to vector<300x100xf32>
      %add3A_121 = arith.addf %add3A_113, %add3A_120 : vector<300x100xf32>
      %div3A_122 = arith.divf %add3A_118, %add3A_121 : vector<300x100xf32>
      %sub3A = arith.constant 1.000000e+00 : f32
      %sub3A_123 = vector.broadcast %sub3A : f32 to vector<300x100xf32>
      %sub3A_124 = arith.subf %sub3A_123, %div3A_122 : vector<300x100xf32>
      %reduce_min3A = arith.constant dense<0x7F800000> : vector<300xf32>
      %reduce_min3A_125 = vector.multi_reduction <minimumf>, %sub3A_124, %reduce_min3A [1] : vector<300x100xf32> to vector<300xf32>
      %iota3A = tpu.iota {dimensions = array<i32: 1>} : vector<300x100xi32>
      %broadcast_in_dim3A_126 = vector.shape_cast %reduce_min3A_125 : vector<300xf32> to vector<300x1xf32>
      %eq3A_127 = vector.broadcast %broadcast_in_dim3A_126 : vector<300x1xf32> to vector<300x100xf32>
      %eq3A_128 = arith.cmpf oeq, %sub3A_124, %eq3A_127 : vector<300x100xf32>
      %jit3A = arith.constant 100 : i32
      %broadcast_in_dim3A_129 = vector.broadcast %jit3A : i32 to vector<300x100xi32>
      %select_n3A = arith.select %eq3A_128, %iota3A, %broadcast_in_dim3A_129 : vector<300x100xi1>, vector<300x100xi32>
      %reduce_min3A_130 = arith.constant dense<2147483647> : vector<300xi32>
      %reduce_min3A_131 = vector.multi_reduction <minsi>, %select_n3A, %reduce_min3A_130 [1] : vector<300x100xi32> to vector<300xi32>
      %swap3A_132 = arith.constant 0 : index
      %swap3A_133 = arith.constant 0 : index
      %swap3A_134 = arith.constant 0 : index
      %swap3A_135 = vector.load %arg4[%swap3A_132, %swap3A_133, %swap3A_134] : memref<1x1x300xf32, #tpu.memory_space<vmem>>, vector<1x1x300xf32>
      %swap3A_136 = vector.shape_cast %swap3A_135 : vector<1x1x300xf32> to vector<300xf32>
      %swap3A_137 = vector.shape_cast %reduce_min3A_125 : vector<300xf32> to vector<1x1x300xf32>
      tpu.vector_store %arg4[%swap3A_132, %swap3A_133, %swap3A_134], %swap3A_137 {strides = array<i32>} : memref<1x1x300xf32, #tpu.memory_space<vmem>>, vector<1x1x300xf32>,
      %swap3A_138 = arith.constant 0 : index
      %swap3A_139 = arith.constant 0 : index
      %swap3A_140 = arith.constant 0 : index
      %swap3A_141 = vector.load %arg5[%swap3A_138, %swap3A_139, %swap3A_140] : memref<1x1x300xi32, #tpu.memory_space<vmem>>, vector<1x1x300xi32>
      %swap3A_142 = vector.shape_cast %swap3A_141 : vector<1x1x300xi32> to vector<300xi32>
      %swap3A_143 = vector.shape_cast %reduce_min3A_131 : vector<300xi32> to vector<1x1x300xi32>
      tpu.vector_store %arg5[%swap3A_138, %swap3A_139, %swap3A_140], %swap3A_143 {strides = array<i32>} : memref<1x1x300xi32, #tpu.memory_space<vmem>>, vector<1x1x300xi32>,
    } else {
    }
    return
  }
  func.func @transform_0(%arg0: i32, %arg1: i32) -> (i32, i32, i32) {
    %c0_i32 = arith.constant 0 : i32
    %c0_i32_0 = arith.constant 0 : i32
    return %arg0, %c0_i32, %arg1 : i32, i32, i32
  }
  func.func @transform_1(%arg0: i32, %arg1: i32) -> (i32, i32, i32) {
    %c0_i32 = arith.constant 0 : i32
    %c0_i32_0 = arith.constant 0 : i32
    return %arg0, %c0_i32, %arg1 : i32, i32, i32
  }
  func.func @transform_2(%arg0: i32, %arg1: i32) -> (i32, i32, i32) {
    %c0_i32 = arith.constant 0 : i32
    %c0_i32_0 = arith.constant 0 : i32
    %c0_i32_1 = arith.constant 0 : i32
    return %arg0, %c0_i32, %c0_i32_0 : i32, i32, i32
  }
  func.func @transform_3(%arg0: i32, %arg1: i32) -> (i32, i32, i32) {
    %c0_i32 = arith.constant 0 : i32
    %c0_i32_0 = arith.constant 0 : i32
    %c0_i32_1 = arith.constant 0 : i32
    return %arg0, %c0_i32, %c0_i32_0 : i32, i32, i32
  }
}

</mosaic_0001>

<sc_bundles>
// kernel: kernel.5.cloned.1.call-start
scs
__scs_entry_jumppad:
0x0: {  	(pc) =	sbr.rel $0x88, $3  }
0x1: {  	(tag) =	ssettag $0x0;
	lr =	simm.s32 $0x1  }
0x2: {  	[smem:$0x3F9E] =	sst lr;
	_ =	strace $0xD0000000  }
0x3: {  	_ = 	snop  }
0x4: {  	_ = 	snop  }
0x5: {  	_ = 	snop  }
0x6: {  	_ = 	snop  }
0x7: {  	_ = 	snop  }
__scs_overlays_trampoline_lowered:
0x8: {  	[smem:$0x3FAD] =	sst s0  }
0x9: {  	[smem:$0x3FAE] =	sst s1  }
0xa: {  	[smem:$0x3FAF] =	sst s2  }
0xb: {  	[smem:$0x3FB0] =	sst s3  }
0xc: {  	[smem:$0x3FB1] =	sst s4  }
0xd: {  	[smem:$0x3FB2] =	sst s5  }
0xe: {  	[smem:$0x3FB3] =	sst s6  }
0xf: {  	[smem:$0x3FB4] =	sst s7  }
0x10: {  	[smem:$0x3FB5] =	sst s8  }
0x11: {  	[smem:$0x3FB6] =	sst s9;
	s0 =	simm.s32 @!p0 $0x0  }
0x12: {  	s1 =	sld [smem:$0x3F9C];
	s0 =	simm.s32 @p0 $0x1  }
0x13: {  	[smem:$0x3FB7] =	sst s0;
	s0 =	simm.s32 @!p1 $0x0  }
0x14: {  	s2 =	sld [smem:$0x3F9B];
	s0 =	simm.s32 @p1 $0x1  }
0x15: {  	[smem:$0x3FB8] =	sst s0;
	s0 =	simm.s32 @!p2 $0x0  }
0x16: {  	s3 =	sld [smem:$0x3FDB];
	s0 =	simm.s32 @p2 $0x1  }
0x17: {  	s4 =	simm.s32 $0x1BF5;
	[smem:$0x3FBA] =	sst s0  }
0x18: {  	s0 =	sld [smem:$0x3F9D];
	_ =	swait.ge [sflag:s4], $0x0  }
0x19: {  	s7 =	sld [smem:$0x3F9E]  }
0x1a: {  	s8 =	sadd.s32 $0xFFFFE003, lr  }
0x1b: {  	s9 =	sadd.s32 $0xFFFFFEF7, lr;
	s5 =	simm.s32 $0xFFFFFFFF;
	p2 =	slt.u32 s8, $0xFFFFF086  }
0x1c: {  	p1 =	slt.u32 s9, $0xF7A;
	s5 =	simm.s32 @!p2 $0x0  }
0x1d: {  	s5 =	simm.s32 @p1 $0x1;
	p0 =	seq.s32 s7, s2  }
0x1e: {  	s7 =	smul.u32 @!p0 $0xF7A, s2;
	p2 =	seq.s32 @!p0 s5, $0x0  }
0x1f: {  	s9 =	smul.u32 $0xF7A, s1;
	s8 =	simm.s32 @!p0 $0x1BF5;
	p2 =	por !p2, p0  }
0x20: {  	[sflag:s8] =	ssyncset.s32 @!p0 $0xFFFFF086;
	s6 =	sadd.s32 @!p0 s3, s7;
	s7 =	simm.s32 @!p0 $0x108  }
0x21: {  	s3 =	sadd.s32 s3, s9;
	s6 =	sadd.s32 @!p0 $0x88, s6;
	s7 =	simm.s32 @p2 $0x1082  }
0x22: {  	[simem:s7], [sflag:s8] =	dma.local @!p0 [hbm:s6], $0xF7A  }
0x23: {  	s9 =	sor.u32 $0xD0000000, s2;
	s6 =	simm.s32 $0x108;
	_ =	swait.ge @!p0 [sflag:s8], $0x0  }
0x24: {  	s3 =	sadd.s32 $0x88, s3;
	s6 =	simm.s32 @!p1 $0x1082;
	[sflag:s4] =	ssyncset.s32 $0xFFFFF086  }
0x25: {  	[simem:s6], [sflag:s4] =	dma.local [hbm:s3], $0xF7A  }
0x26: {  	[smem:$0x3F9E] =	sst s1;
	(tag) =	ssettag s2;
	_ =	strace s9  }
0x27: {  	s1 =	sld [smem:$0x3FAE]  }
0x28: {  	s2 =	sld [smem:$0x3FAF]  }
0x29: {  	s4 =	sld [smem:$0x3FB1]  }
0x2a: {  	p0 =	seq.s32 s5, $0x0;
	s5 =	sld [smem:$0x3FB2]  }
0x2b: {  	s6 =	sld [smem:$0x3FB3]  }
0x2c: {  	s7 =	sld [smem:$0x3FB4]  }
0x2d: {  	s3 =	simm.s32 $0x108;
	s8 =	sld [smem:$0x3FB5]  }
0x2e: {  	s3 =	simm.s32 @!p0 $0x1082;
	s9 =	sld [smem:$0x3FB6]  }
0x2f: {  	lr =	sadd.s32 s0, s3;
	s0 =	sld [smem:$0x3FAD]  }
0x30: {  	s3 =	sld [smem:$0x3FB0]  }
0x31: {  	[smem:$0x3FB9] =	sst s10  }
0x32: {  	s10 =	sld [smem:$0x3FB7];
	_ =	sdelay $0x3  }
0x33: {  	p0 =	seq.s32 s10, $0x1;
	s10 =	sld [smem:$0x3FB9];
	_ =	sdelay $0x3  }
0x34: {  	[smem:$0x3FB9] =	sst s10  }
0x35: {  	s10 =	sld [smem:$0x3FB8];
	_ =	sdelay $0x3  }
0x36: {  	p1 =	seq.s32 s10, $0x1;
	s10 =	sld [smem:$0x3FB9];
	_ =	sdelay $0x3  }
0x37: {  	[smem:$0x3FB9] =	sst s10  }
0x38: {  	s10 =	sld [smem:$0x3FBA]  }
0x39: {  	_ = 	snop;
	(pc) =	sbr.ind lr, $3  }
0x3a: {  	_ = 	snop  }
0x3b: {  	_ = 	snop  }
0x3c: {  	p2 =	seq.s32 s10, $0x1;
	s10 =	sld [smem:$0x3FB9]  }
0x3d: {  	_ =	shalt  }
0x3e: {  	_ =	shalt  }
0x3f: {  	_ =	shalt  }
0x40: {  	_ =	shalt  }
0x41: {  	_ =	shalt  }
0x42: {  	_ =	shalt  }
0x43: {  	_ =	shalt  }
0x44: {  	_ =	shalt  }
0x45: {  	_ =	shalt  }
0x46: {  	_ =	shalt  }
0x47: {  	_ =	shalt  }
0x48: {  	_ =	shalt  }
0x49: {  	_ =	shalt  }
0x4a: {  	_ =	shalt  }
0x4b: {  	_ =	shalt  }
0x4c: {  	_ =	shalt  }
0x4d: {  	_ =	shalt  }
0x4e: {  	_ =	shalt  }
0x4f: {  	_ =	shalt  }
0x50: {  	_ =	shalt  }
0x51: {  	_ =	shalt  }
0x52: {  	_ =	shalt  }
0x53: {  	_ =	shalt  }
0x54: {  	_ =	shalt  }
0x55: {  	_ =	shalt  }
0x56: {  	_ =	shalt  }
0x57: {  	_ =	shalt  }
0x58: {  	_ =	shalt  }
0x59: {  	_ =	shalt  }
0x5a: {  	_ =	shalt  }
0x5b: {  	_ =	shalt  }
0x5c: {  	_ =	shalt  }
0x5d: {  	_ =	shalt  }
0x5e: {  	_ =	shalt  }
0x5f: {  	_ =	shalt  }
0x60: {  	_ =	shalt  }
0x61: {  	_ =	shalt  }
0x62: {  	_ =	shalt  }
0x63: {  	_ =	shalt  }
0x64: {  	_ =	shalt  }
0x65: {  	_ =	shalt  }
0x66: {  	_ =	shalt  }
0x67: {  	_ =	shalt  }
0x68: {  	_ =	shalt  }
0x69: {  	_ =	shalt  }
0x6a: {  	_ =	shalt  }
0x6b: {  	_ =	shalt  }
0x6c: {  	_ =	shalt  }
0x6d: {  	_ =	shalt  }
0x6e: {  	_ =	shalt  }
0x6f: {  	_ =	shalt  }
0x70: {  	_ =	shalt  }
0x71: {  	_ =	shalt  }
0x72: {  	_ =	shalt  }
0x73: {  	_ =	shalt  }
0x74: {  	_ =	shalt  }
0x75: {  	_ =	shalt  }
0x76: {  	_ =	shalt  }
0x77: {  	_ =	shalt  }
0x78: {  	_ =	shalt  }
0x79: {  	_ =	shalt  }
0x7a: {  	_ =	shalt  }
0x7b: {  	_ =	shalt  }
0x7c: {  	_ =	shalt  }
0x7d: {  	_ =	shalt  }
0x7e: {  	_ =	shalt  }
0x7f: {  	_ =	shalt  }
0x80: {  	_ =	shalt  }
0x81: {  	_ =	shalt  }
0x82: {  	_ =	shalt  }
0x83: {  	_ =	shalt  }
0x84: {  	_ =	shalt  }
0x85: {  	_ =	shalt  }
0x86: {  	_ =	shalt  }
0x87: {  	_ =	shalt  }
.Lfunc_end0:
.L_simem_size_0:
called_computation.1_lowered:
.L_overlay_start_0:
0x88: {  	s2 =	sld [smem:$0x3FD9]  }
0x89: {  	s3 =	sld [smem:$0x3FFE];
	_ =	sdelay $0x1  }
0x8a: {  	s1 =	srdreg.scid  }
0x8b: {  	s0 =	sand.u32 $0x1, s1  }
0x8c: {  	s16 =	sshll.u32 s0, $0xA;
	s2 =	sadd.s32 s3, s2  }
0x8d: {  	s2 =	sadd.s32 s2, s16  }
0x8e: {  	[smem:$0x3FC5] =	sst s2  }
0x8f: {  	_ = 	snop  }
0x90: {  	(tm) =	ssettm $0x1  }
0x91: {  	s17 =	sld [smem:$0x3FFB];
	_ =	sdelay $0x3  }
0x92: {  	_ =	strace s17  }
0x93: {  	s2 =	sld [smem:$0x3FFC];
	_ =	sdelay $0x3  }
0x94: {  	_ =	strace s2  }
0x95: {  	s2 =	sld [smem:$0x3FFD];
	_ =	sdelay $0x3  }
0x96: {  	_ =	strace s2  }
0x97: {  	_ =	strace $0x8FFFFFFF  }
0x98: {  	s18 =	sld [smem:$0x3FDB];
	_ =	sdelay $0x1  }
0x99: {  	s19 =	simm.s32 $_scs_section_size  }
0x9a: {  	s4 =	simm.s32 $_size__tile_overlayer_lowered;
	s5 =	simm.s32 $_tile_overlayer_lowered  }
0x9b: {  	s22 =	simm.s32 $0x1BFF;
	s21 =	sshll.u32 s5, $0x1;
	s2 =	sadd.s32 s19, s18  }
0x9c: {  	s6 =	simm.s32 $0x0;
	s20 =	sshll.u32 s4, $0x1;
	s4 =	sadd.s32 s21, s2  }
0x9d: {  	[timem:s6], [sflag:s22] =	dma.local [hbm:s4], s20  }
0x9e: {  	_ =	swait.ge [sflag:s22], s20  }
0x9f: {  	s3 =	ssub.s32 $0x0, s20;
	[sflag:s22] =	ssyncset.done $0x0  }
0xa0: {  	[sflag:s22] =	ssyncadd.s32 s3;
	_ =	sdelay $0x1  }
0xa1: {  	s23 =	simm.s32 $0x1B8B  }
0xa2: {  	_ =	swait.ge [sflag:s23], $0x1  }
0xa3: {  	[sflag:s23] =	ssyncset.done $0x0  }
0xa4: {  	s25 =	simm.s32 $0x1B8E;
	s24 =	sld [smem:$0x3FFE];
	[sflag:s23] =	ssyncadd.s32 $0xFFFFFFFF  }
0xa5: {  	s26 =	simm.s32 $execute0_lowered;
	[smem:$0x3FD2] =	sst s25  }
0xa6: {  	s4 =	sshll.u32 s26, $0x1;
	_ =	strace $0x80000049;
	[dreg:$0x1] =	wrdreg $0xFFFFFFFF  }
0xa7: {  	s28 =	simm.s32 $_size_execute0_lowered;
	s2 =	sadd.s32 s2, s4;
	[dreg:$0x0] =	wrdreg $0x0  }
0xa8: {  	s4 =	sshll.u32 s28, $0x1;
	[dreg:$0x2] =	wrdreg s2  }
0xa9: {  	[dreg:$0x3] =	wrdreg s4  }
0xaa: {  	[dreg:$0x4] =	wrdreg $0xC0  }
0xab: {  	_ =	task [dreg:s6], $0x5FFFF  }
0xac: {  	[dreg:$0x1] =	wrdreg $0xFFFFFFFF  }
0xad: {  	[dreg:$0x0] =	wrdreg $0x60  }
0xae: {  	[dreg:$0x2] =	wrdreg s24  }
0xaf: {  	[dreg:$0x3] =	wrdreg $0x9  }
0xb0: {  	_ =	task.clear_ibuf [dreg:s6], $0x4FFFF;
	_ =	strace $0x90000049  }
0xb1: {  	s29 =	simm.s32 $0x9;
	_ =	strace $0x8000004B  }
0xb2: {  	_ =	swait.ge [sflag:s29], $0x1  }
0xb3: {  	[sflag:s29] =	ssyncadd.s32 $0xFFFFFFFF  }
0xb4: {  	_ =	strace $0x9000004B  }
0xb5: {  	_ =	sfence  }
0xb6: {  	s30 =	sld [smem:$0x0];
	_ =	sdelay $0x2  }
0xb7: {  	s31 =	sshll.u32 s1, $0xD;
	s1 =	sshrl.u32 s1, $0x2  }
0xb8: {  	s3 =	sand.u32 $0x4000, s31;
	s1 =	sadd.s32 s1, s30  }
0xb9: {  	s0 =	sor.u32 s3, s0;
	s1 =	sshll.u32 s1, $0x11  }
0xba: {  	s0 =	sor.u32 s1, s0  }
0xbb: {  	s0 =	sadd.s32 $0x8F2B, s0  }
0xbc: {  	[sflag:s0] =	ssyncadd.remote.s32 $0x1  }
0xbd: {  	_ =	sfence.sel $0xFFFF  }
0xbe: {  	[dreg:$0x0] =	wrdreg $0xFFFFFFFF;
	(pc) =	sbr.abs _section_cstart, $3  }
0xbf: {  	[dreg:$0x1] =	wrdreg $0xFFFFFFFF  }
0xc0: {  	_ =	task.clear_ibuf [dreg:s6], $0x2FFFF;
	_ =	strace $0x9FFFFFFF  }
0xc1: {  	(tm) =	ssettm $0x7FFFFFFF  }
tec
execute0_lowered:
.L_overlay_start_1:
0x0: {  	(tag) =	ssettag $0x1  }
0x1: {  	s0 =	srdreg.scid  }
0x2: {  	s2 =	stileid.u32;
	s3 =	simm.s32 $0x1;
	s0 =	sand.u32 $0x1, s0  }
0x3: {  	s8 =	rddreg [dreg:$0x0];
	s5 =	simm.s32 $0x0;
	s1 =	sshll.u32 s0, $0x4  }
0x4: {  	s28 =	simm.s32 $0x2;
	s1 =	sor.u32 s2, s1;
	s2 =	sand.u32 $0x7, s2  }
0x5: {  	s29 =	simm.s32 $0x1A600;
	p0 =	seq.s32 s1, $0x0;
	p1 =	sne.s32 s2, $0x0  }
0x6: {  	[smem:$0x7FF] =	sst s5;
	s5 =	simm.s32 $0x1;
	p0 =	por !p1, !p0  }
0x7: {  	_ =	strace $0x8000004A;
	s0 =	ssub.s32 $0x2, s0;
	p0 =	por !p0, !p0  }
0x8: {  	s12 =	sshrl.u32 s0, $0x1;
	s1 =	sshrl.u32 s1, $0x3;
	s3 =	simm.s32 @!p0 $0x0  }
0x9: {  	s7 =	smul.u32 $0x32, s2;
	s0 =	ssub.s32 s0, s12;
	s1 =	ssub.s32 s1, s3  }
0xa: {  	s0 =	smax.u32 s0, $0x1;
	s3 =	sshrl.u32 s1, $0x2;
	s11 =	smul.u32 $0x64, s1  }
0xb: {  	[dreg:$0x9] =	wrdreg s0;
	s4 =	sshll.u32 s1, $0x7;
	s3 =	smul.u32 $0xC400, s3  }
0xc: {  	s0 =	simm.s32 $0xF500;
	p0 =	slt.u32 s2, $0x6;
	s4 =	sand.u32 $0x180, s4  }
0xd: {  	s9 =	sadd.s32 $0xFFFFFED4, s11;
	s15 =	sadd.s32 $0xFFFFFED5, s11;
	s16 =	sor.u32 s4, s3  }
0xe: {  	s3 =	sadd.s32 $0x2400, s8;
	s4 =	sadd.s32 $0x25A400, s8;
	s18 =	sadd.s32 s7, s9  }
0xf: {  	s22 =	sadd.s32 s7, s15;
	s6 =	sshrl.u32 s16, $0x3;
	s19 =	sshll.u32 s18, $0xE  }
0x10: {  	s12 =	sshll.u32 s18, $0x7;
	s16 =	smul.u32 $0x12C, s1;
	s23 =	sshll.u32 s22, $0xE  }
0x11: {  	s10 =	sadd.s32 s6, s8;
	s6 =	sadd.s32 $0x32A600, s8;
	s8 =	sadd.s32 $0x4F5C00, s8  }
0x12: {  	s1 =	sshll.u32 s22, $0x7;
	s12 =	sand.u32 $0x300, s12;
	s17 =	sadd.s32 $0x322400, s10  }
0x13: {  	s2 =	sand.u32 $0xFFFE0000, s23;
	s13 =	sadd.s32 $0x323E00, s10;
	[dreg:$0x2] =	wrdreg s17  }
0x14: {  	s1 =	sand.u32 $0x380, s1;
	s14 =	sadd.s32 $0x325800, s10;
	[dreg:$0x3] =	wrdreg s13  }
0x15: {  	s20 =	sadd.s32 $0x327200, s10;
	s10 =	sadd.s32 $0x328C00, s10;
	[dreg:$0x4] =	wrdreg s14  }
0x16: {  	s24 =	sadd.s32 s7, s16;
	s1 =	sor.u32 s1, s2;
	[dreg:$0x5] =	wrdreg s20  }
0x17: {  	s22 =	sor.u32 $0x3, s16;
	s13 =	sand.u32 $0xFFFE0000, s19;
	[dreg:$0x6] =	wrdreg s10  }
0x18: {  	s25 =	sshll.u32 s24, $0x7;
	s26 =	sshll.u32 s24, $0xE;
	s1 =	sshrl.u32 s1, $0x3  }
0x19: {  	s19 =	sadd.s32 $0xFFFFFED6, s11;
	s20 =	sadd.s32 $0xFFFFFED7, s11;
	s24 =	simm.s32 $0x80  }
0x1a: {  	s21 =	sor.u32 s12, s13;
	s30 =	sor.u32 $0x80, s25;
	s2 =	sand.u32 $0xFFFE0000, s26  }
0x1b: {  	s12 =	sand.u32 $0x300, s25;
	s26 =	simm.s32 $0x5;
	s10 =	sshrl.u32 s21, $0x3  }
0x1c: {  	s12 =	sor.u32 s12, s2;
	s13 =	sadd.s32 s4, s10;
	s10 =	sand.u32 $0x380, s30  }
.Ltmp0:
0x1d: {  	s31 =	sshrl.u32 s12, $0x3;
	s2 =	sor.u32 s10, s2;
	(pc) =	sbr.rel .LBB2_1-.Ltmp0, $4  }
0x1e: {  	s10 =	sadd.s32 s4, s1;
	s1 =	sadd.s32 s3, s31;
	s2 =	sshrl.u32 s2, $0x3  }
0x1f: {  	s21 =	sor.u32 $0x2, s16;
	s13 =	smov.u32 @p0 s1;
	s2 =	sadd.s32 s3, s2  }
0x20: {  	s12 =	simm.s32 $0x0;
	[dreg:$0x7] =	wrdreg s13;
	s10 =	smov.u32 @p0 s2  }
0x21: {  	s1 =	simm.s32 $0x400;
	s2 =	simm.s32 $0x13500;
	[dreg:$0x8] =	wrdreg s10  }
.LBB2_6:
0x22: {  	s10 =	simm.s32 $0x3  }
0x23: {  	_ =	swait.ge [sflag:s10], $0x3100  }
0x24: {  	[sflag:s10] =	ssyncset.done $0x0  }
0x25: {  	s11 =	simm.s32 $0x4;
	[sflag:s10] =	ssyncadd.s32 $0xFFFFCF00  }
0x26: {  	_ =	swait.ge [sflag:s11], $0x3100  }
0x27: {  	s12 =	rddreg [dreg:$0xa]  }
0x28: {  	s31 =	rddreg [dreg:$0x9];
	s12 =	sadd.s32 $0x1, s12  }
0x29: {  	p0 =	sne.s32 s12, s31  }
.Ltmp1:
0x2a: {  	_ = 	snop;
	(pc) =	sbr.rel @!p0 .LBB2_7-.Ltmp1, $3  }
0x2b: {  	_ =	sdelay $0x1  }
0x2c: {  	[sflag:s11] =	ssyncset.done $0x0  }
0x2d: {  	[sflag:s11] =	ssyncadd.s32 $0xFFFFCF00  }
.LBB2_1:
0x2e: {  	[dreg:$0xa] =	wrdreg s12  }
0x2f: {  	s10 =	simm.s32 $0x0;
	s11 =	rddreg [dreg:$0x2];
	s12 =	simm.s32 $0x200  }
0x30: {  	[tilespmem:s10], [sflag:$0x5] =	stream.strided.gather [hbm4b:s11+s24], $0x3100, s12, s24, $0x38;
	[tilespmem:$0x1D700] =	vst v63  }
0x31: {  	_ =	swait.ge [sflag:s26], $0x3100  }
0x32: {  	[sflag:s26] =	ssyncset.done $0x0  }
0x33: {  	s31 =	simm.s32 $0x3100;
	s30 =	rddreg [dreg:$0x3];
	[sflag:s26] =	ssyncadd.s32 $0xFFFFCF00  }
0x34: {  	[tilespmem:s31], [sflag:$0x5] =	stream.strided.gather [hbm4b:s30+s24], $0x3100, s12, s24, $0x38;
	[tilespmem:$0x1D700] =	vst v63  }
0x35: {  	_ =	swait.ge [sflag:s26], $0x3100  }
0x36: {  	[sflag:s26] =	ssyncset.done $0x0  }
0x37: {  	s14 =	simm.s32 $0x6200;
	s13 =	rddreg [dreg:$0x4];
	[sflag:s26] =	ssyncadd.s32 $0xFFFFCF00  }
0x38: {  	[tilespmem:s14], [sflag:$0x5] =	stream.strided.gather [hbm4b:s13+s24], $0x3100, s12, s24, $0x38;
	[tilespmem:$0x1D700] =	vst v63  }
0x39: {  	_ =	swait.ge [sflag:s26], $0x3100  }
0x3a: {  	[sflag:s26] =	ssyncset.done $0x0  }
0x3b: {  	s18 =	simm.s32 $0x9300;
	s17 =	rddreg [dreg:$0x5];
	[sflag:s26] =	ssyncadd.s32 $0xFFFFCF00  }
0x3c: {  	[tilespmem:s18], [sflag:$0x5] =	stream.strided.gather [hbm4b:s17+s24], $0x3100, s12, s24, $0x38;
	[tilespmem:$0x1D700] =	vst v63  }
0x3d: {  	_ =	swait.ge [sflag:s26], $0x3100  }
0x3e: {  	[sflag:s26] =	ssyncset.done $0x0  }
0x3f: {  	s25 =	simm.s32 $0xC400;
	s23 =	rddreg [dreg:$0x6];
	[sflag:s26] =	ssyncadd.s32 $0xFFFFCF00  }
0x40: {  	[tilespmem:s25], [sflag:$0x5] =	stream.strided.gather [hbm4b:s23+s24], $0x3100, s12, s24, $0x38;
	[tilespmem:$0x1D700] =	vst v63  }
0x41: {  	_ =	swait.ge [sflag:s26], $0x3100  }
0x42: {  	[sflag:s26] =	ssyncset.done $0x0  }
0x43: {  	s30 =	rddreg [dreg:$0x7];
	[sflag:s26] =	ssyncadd.s32 $0xFFFFCF00  }
0x44: {  	[tilespmem:s0], [sflag:$0x1] =	stream.strided.gather [hbm4b:s30+s24], $0x4000, s1, s24, $0x38;
	[tilespmem:$0x1D700] =	vst v63  }
0x45: {  	s11 =	simm.s32 $0x0;
	s31 =	rddreg [dreg:$0x8]  }
0x46: {  	[tilespmem:s2], [sflag:$0x2] =	stream.strided.gather [hbm4b:s31+s24], $0x4000, s1, s24, $0x38;
	[tilespmem:$0x1D700] =	vst v63  }
.LBB2_2:
0x47: {  	_ =	swait.ge [sflag:s5], $0x4000  }
0x48: {  	[sflag:s5] =	ssyncset.done $0x0  }
0x49: {  	[sflag:s5] =	ssyncadd.s32 $0xFFFFC000  }
0x4a: {  	_ =	swait.ge [sflag:s28], $0x4000  }
0x4b: {  	p0 =	seq.s32 s11, $0x0;
	[sflag:s28] =	ssyncset.done $0x0  }
0x4c: {  	s10 =	simm.s32 @!p0 $0x3;
	[sflag:s28] =	ssyncadd.s32 $0xFFFFC000  }
0x4d: {  	_ =	swait.ge @!p0 [sflag:s10], $0x3100  }
0x4e: {  	[sflag:s10] =	ssyncset.done @!p0 $0x0  }
0x4f: {  	[sflag:s10] =	ssyncadd.s32 @!p0 $0xFFFFCF00;
	s10 =	simm.s32 @!p0 $0x4  }
0x50: {  	_ =	swait.ge @!p0 [sflag:s10], $0x3100  }
0x51: {  	[sflag:s10] =	ssyncset.done @!p0 $0x0  }
0x52: {  	s17 =	simm.s32 $0x20;
	[sflag:s10] =	ssyncadd.s32 @!p0 $0xFFFFCF00  }
0x53: {  	v0 =	vld [tilespmem:s17+$0x10];
	_ =	sdelay $0x4  }
0x54: {  	v1 =	vshrl.u32 v0, $0xE;
	v2 =	vshrl.u32 v0, $0x8  }
0x55: {  	v3 =	vld [tilespmem:s17+$0xFFFFFFF0];
	v4 =	vand.u32 $0x3FFF, v0;
	v1 =	vand.u32 $0x1, v1;
	v2 =	vand.u32 $0x80, v2  }
0x56: {  	v5 =	vld [tilespmem:s17+$0xFFFFFFE0];
	v7 =	vadd.s32 v4, v1;
	v2 =	vadd.s32 v4, v2  }
0x57: {  	s12 =	simm.s32 $0x3120;
	v8 =	vld [tilespmem:s17+$0x0];
	v0 =	vand.u32 $0x7F, v0;
	v6 =	vand.u32 $0x7F80, v2  }
0x58: {  	s14 =	simm.s32 $0x6220;
	v33 =	vld [tilespmem:s12+$0x10];
	v9 =	vor.u32 v0, v6  }
0x59: {  	v14 =	vld [tilespmem:s14+$0x10]  }
0x5a: {  	v10 =	vadd.s32 v1, v2;
	v0 =	vld.idx.msk [tilespmem:v4+s0+$0x0], $0xffff  }
0x5b: {  	s17 =	simm.s32 $0x9320;
	v11 =	vld.idx.msk [tilespmem:v7+s0+$0x0], $0xffff  }
0x5c: {  	v26 =	vld [tilespmem:s17+$0x10]  }
0x5d: {  	s13 =	simm.s32 $0xC420;
	v17 =	vld.idx.msk [tilespmem:v9+s0+$0x0], $0xffff  }
0x5e: {  	v29 =	vld [tilespmem:s13+$0x10]  }
0x5f: {  	v21 =	vld.idx.msk [tilespmem:v10+s0+$0x0], $0xffff  }
0x60: {  	v0 =	vmul.f32 v0, v33;
	v11 =	vmul.f32 v11, v14;
	_ =	sdelay $0x1  }
0x61: {  	v0 =	vadd.f32 v11, v0;
	v11 =	vmul.f32 v17, v26  }
0x62: {  	v12 =	vand.u32 $0x3FFF, v5  }
0x63: {  	v0 =	vadd.f32 v11, v0;
	v11 =	vmul.f32 v21, v29  }
0x64: {  	v32 =	vld [tilespmem:s12+$0xFFFFFFE0];
	v13 =	vand.u32 $0x3FFF, v3;
	v19 =	vand.u32 $0x3FFF, v8;
	v2 =	vshrl.u32 v5, $0xE  }
0x65: {  	v34 =	vld [tilespmem:s14+$0xFFFFFFE0];
	v1 =	vshrl.u32 v3, $0xE;
	v2 =	vand.u32 $0x1, v2;
	v0 =	vadd.f32 v11, v0  }
0x66: {  	s18 =	simm.s32 $0x17520;
	v35 =	vld [tilespmem:s12+$0xFFFFFFF0];
	v6 =	vshrl.u32 v8, $0xE;
	v1 =	vand.u32 $0x1, v1;
	v16 =	vadd.s32 v12, v2  }
0x67: {  	v18 =	vand.u32 $0x1, v6;
	v20 =	vadd.s32 v13, v1;
	v22 =	vld.idx.msk [tilespmem:v12+s0+$0x0], $0xffff;
	[tilespmem:s18+$0x10] =	vst v0  }
0x68: {  	v24 =	vshrl.u32 v8, $0x8;
	v6 =	vadd.s32 v19, v18;
	v4 =	vld.idx.msk [tilespmem:v4+s2+$0x0], $0xffff  }
0x69: {  	v41 =	vld.idx.msk [tilespmem:v13+s0+$0x0], $0xffff;
	v17 =	vshrl.u32 v5, $0x8;
	v5 =	vand.u32 $0x7F, v5;
	v21 =	vshrl.u32 v3, $0x8  }
0x6a: {  	v42 =	vld.idx.msk [tilespmem:v19+s0+$0x0], $0xffff;
	v17 =	vand.u32 $0x80, v17;
	v3 =	vand.u32 $0x7F, v3;
	v21 =	vand.u32 $0x80, v21  }
0x6b: {  	v23 =	vld.idx.msk [tilespmem:v16+s0+$0x0], $0xffff;
	v11 =	vand.u32 $0x80, v24;
	v24 =	vadd.s32 v12, v17;
	v21 =	vadd.s32 v13, v21  }
0x6c: {  	v36 =	vld.idx.msk [tilespmem:v20+s0+$0x0], $0xffff;
	v11 =	vadd.s32 v19, v11;
	v17 =	vand.u32 $0x7F80, v24;
	v0 =	vand.u32 $0x7F80, v21  }
0x6d: {  	v40 =	vld.idx.msk [tilespmem:v6+s0+$0x0], $0xffff;
	v30 =	vor.u32 v5, v17;
	v5 =	vand.u32 $0x7F, v8;
	[tilespmem:$0x1FFB0] =	vst v4;
	v4 =	vand.u32 $0x7F80, v11  }
0x6e: {  	v31 =	vor.u32 v3, v0;
	v0 =	vor.u32 v5, v4  }
0x6f: {  	v17 =	vld.idx.msk [tilespmem:v7+s2+$0x0], $0xffff;
	[tilespmem:$0x1FFC0] =	vst v0  }
0x70: {  	v38 =	vld [tilespmem:s14+$0xFFFFFFF0]  }
0x71: {  	v39 =	vld [tilespmem:s12+$0x0]  }
0x72: {  	v15 =	vadd.s32 v2, v24;
	v37 =	vld [tilespmem:s14+$0x0]  }
0x73: {  	v3 =	vadd.s32 v1, v21;
	v5 =	vld.idx.msk [tilespmem:v30+s0+$0x0], $0xffff;
	[tilespmem:$0x1FFD0] =	vst v15  }
0x74: {  	v7 =	vld.idx.msk [tilespmem:v31+s0+$0x0], $0xffff;
	[tilespmem:$0x1FFE0] =	vst v3  }
0x75: {  	v4 =	vadd.s32 v18, v11;
	v8 =	vld.idx.msk [tilespmem:v0+s0+$0x0], $0xffff  }
0x76: {  	v0 =	vld [tilespmem:s17+$0xFFFFFFE0];
	[tilespmem:$0x1FFF0] =	vst v4  }
0x77: {  	v2 =	vld [tilespmem:s17+$0xFFFFFFF0]  }
0x78: {  	v1 =	vld [tilespmem:s17+$0x0]  }
0x79: {  	v11 =	vld.idx.msk [tilespmem:v15+s0+$0x0], $0xffff  }
0x7a: {  	v18 =	vld.idx.msk [tilespmem:v3+s0+$0x0], $0xffff  }
0x7b: {  	v3 =	vld [tilespmem:s13+$0xFFFFFFE0]  }
0x7c: {  	v21 =	vmul.f32 v22, v32;
	v22 =	vmul.f32 v23, v34;
	v23 =	vld.idx.msk [tilespmem:v4+s0+$0x0], $0xffff  }
0x7d: {  	v41 =	vmul.f32 v41, v35;
	v4 =	vld [tilespmem:s13+$0xFFFFFFF0]  }
0x7e: {  	v21 =	vadd.f32 v22, v21;
	v36 =	vmul.f32 v36, v38;
	v22 =	vmul.f32 v5, v0;
	v5 =	vld [tilespmem:s13+$0x0]  }
0x7f: {  	s23 =	simm.s32 $0x60;
	v43 =	vld.idx.msk [tilespmem:v9+s2+$0x0], $0xffff;
	v9 =	vmul.f32 v42, v39;
	v40 =	vmul.f32 v40, v37  }
0x80: {  	v36 =	vadd.f32 v36, v41;
	v7 =	vmul.f32 v7, v2;
	v21 =	vadd.f32 v22, v21;
	v22 =	vld [tilespmem:s23+$0x10]  }
0x81: {  	v9 =	vadd.f32 v40, v9;
	v11 =	vmul.f32 v11, v3;
	v8 =	vmul.f32 v8, v1  }
0x82: {  	v41 =	vld.idx.msk [tilespmem:v10+s2+$0x0], $0xffff;
	v10 =	vmul.f32 v18, v4;
	v7 =	vadd.f32 v7, v36  }
0x83: {  	v8 =	vadd.f32 v8, v9;
	v11 =	vadd.f32 v11, v21;
	v9 =	vmul.f32 v23, v5  }
0x84: {  	v7 =	vadd.f32 v10, v7  }
0x85: {  	[tilespmem:s18+$0xFFFFFFE0] =	vst v11;
	v8 =	vadd.f32 v9, v8;
	v9 =	vshrl.u32 v22, $0xE;
	v10 =	vshrl.u32 v22, $0x8  }
0x86: {  	v40 =	vld.idx.msk [tilespmem:v12+s2+$0x0], $0xffff;
	[tilespmem:s18+$0xFFFFFFF0] =	vst v7;
	v12 =	vand.u32 $0x3FFF, v22;
	v7 =	vand.u32 $0x1, v9;
	v9 =	vand.u32 $0x80, v10  }
0x87: {  	s12 =	simm.s32 $0x3160;
	v44 =	vld.idx.msk [tilespmem:v13+s2+$0x0], $0xffff;
	v13 =	vadd.s32 v12, v7;
	v9 =	vadd.s32 v12, v9  }
0x88: {  	s14 =	simm.s32 $0x9360;
	v47 =	vld [tilespmem:s12+$0x10];
	v10 =	vand.u32 $0x7F, v22;
	[tilespmem:s18+$0x0] =	vst v8;
	v8 =	vand.u32 $0x7F80, v9  }
0x89: {  	v52 =	vld [tilespmem:s14+$0x10];
	s13 =	simm.s32 $0x6260;
	v22 =	vor.u32 v10, v8  }
0x8a: {  	v48 =	vld [tilespmem:s13+$0x10]  }
0x8b: {  	v23 =	vadd.s32 v7, v9;
	v8 =	vld.idx.msk [tilespmem:v12+s0+$0x0], $0xffff  }
0x8c: {  	s17 =	simm.s32 $0xC460;
	v63 =	vld.idx.msk [tilespmem:v13+s0+$0x0], $0xffff  }
0x8d: {  	v55 =	vld [tilespmem:s17+$0x10]  }
0x8e: {  	v50 =	vld.idx.msk [tilespmem:v22+s0+$0x0], $0xffff  }
0x8f: {  	v18 =	vld [tilespmem:s23+$0xFFFFFFF0]  }
0x90: {  	v54 =	vld.idx.msk [tilespmem:v23+s0+$0x0], $0xffff  }
0x91: {  	v56 =	vld.idx.msk [tilespmem:v6+s2+$0x0], $0xffff;
	v6 =	vmul.f32 v8, v47;
	v8 =	vmul.f32 v63, v48  }
0x92: {  	v11 =	vld [tilespmem:s23+$0xFFFFFFE0]  }
0x93: {  	v21 =	vld [tilespmem:s23+$0x0];
	v6 =	vadd.f32 v8, v6;
	v8 =	vmul.f32 v50, v52;
	_ =	sdelay $0x1  }
0x94: {  	v62 =	vshrl.u32 v18, $0x8;
	v6 =	vadd.f32 v8, v6;
	v8 =	vmul.f32 v54, v55  }
0x95: {  	v62 =	vand.u32 $0x80, v62  }
0x96: {  	v7 =	vshrl.u32 v18, $0xE;
	v9 =	vshrl.u32 v11, $0xE;
	v36 =	vadd.f32 v8, v6  }
0x97: {  	s18 =	simm.s32 $0x17560;
	v46 =	vld.idx.msk [tilespmem:v19+s2+$0x0], $0xffff;
	v10 =	vshrl.u32 v21, $0xE;
	v19 =	vand.u32 $0x3FFF, v11;
	v51 =	vand.u32 $0x1, v7  }
0x98: {  	v42 =	vld.idx.msk [tilespmem:v16+s2+$0x0], $0xffff;
	v7 =	vand.u32 $0x3FFF, v21;
	v61 =	vshrl.u32 v11, $0x8;
	v11 =	vand.u32 $0x7F, v11;
	[tilespmem:s18+$0x10] =	vst v36  }
0x99: {  	v49 =	vand.u32 $0x1, v9;
	v9 =	vand.u32 $0x3FFF, v18;
	v53 =	vand.u32 $0x1, v10;
	v15 =	vld [tilespmem:$0x1FFB0]  }
0x9a: {  	v45 =	vld.idx.msk [tilespmem:v20+s2+$0x0], $0xffff;
	v61 =	vand.u32 $0x80, v61;
	v20 =	vadd.s32 v19, v49;
	v36 =	vshrl.u32 v21, $0x8  }
0x9b: {  	v16 =	vadd.s32 v9, v51;
	v63 =	vld.idx.msk [tilespmem:v12+s2+$0x0], $0xffff;
	v12 =	vand.u32 $0x80, v36;
	v36 =	vadd.s32 v19, v61  }
0x9c: {  	v10 =	vadd.s32 v7, v53;
	v57 =	vld.idx.msk [tilespmem:v19+s0+$0x0], $0xffff;
	v24 =	vadd.s32 v7, v12;
	v12 =	vand.u32 $0x7F80, v36  }
0x9d: {  	v61 =	vadd.s32 v9, v62;
	v62 =	vld.idx.msk [tilespmem:v13+s2+$0x0], $0xffff;
	v13 =	vand.u32 $0x7F, v18;
	v11 =	vor.u32 v11, v12  }
0x9e: {  	v60 =	vld.idx.msk [tilespmem:v7+s0+$0x0], $0xffff;
	v12 =	vand.u32 $0x7F80, v61;
	v33 =	vmul.f32 v15, v33;
	v15 =	vmul.f32 v17, v14  }
0x9f: {  	v26 =	vmul.f32 v43, v26;
	v27 =	vld.idx.msk [tilespmem:v22+s2+$0x0], $0xffff;
	v12 =	vor.u32 v13, v12  }
0xa0: {  	v58 =	vld.idx.msk [tilespmem:v20+s0+$0x0], $0xffff;
	v13 =	vand.u32 $0x7F80, v24;
	v14 =	vadd.s32 v51, v61;
	v61 =	vadd.f32 v15, v33  }
0xa1: {  	v28 =	vld.idx.msk [tilespmem:v23+s2+$0x0], $0xffff;
	v15 =	vadd.s32 v53, v24;
	v24 =	vmul.f32 v41, v29;
	v41 =	vmul.f32 v56, v37  }
0xa2: {  	v59 =	vld.idx.msk [tilespmem:v10+s0+$0x0], $0xffff;
	v56 =	vmul.f32 v63, v47;
	v63 =	vmul.f32 v62, v48  }
0xa3: {  	v50 =	vld.idx.msk [tilespmem:v16+s0+$0x0], $0xffff;
	v26 =	vadd.f32 v26, v61  }
0xa4: {  	v34 =	vmul.f32 v42, v34;
	v54 =	vld.idx.msk [tilespmem:v9+s0+$0x0], $0xffff;
	v27 =	vmul.f32 v27, v52;
	v42 =	vadd.f32 v63, v56  }
0xa5: {  	v6 =	vld [tilespmem:s12+$0xFFFFFFE0];
	v24 =	vadd.f32 v24, v26  }
0xa6: {  	s30 =	simm.s32 $0x1A620;
	v8 =	vld [tilespmem:s13+$0xFFFFFFE0];
	v28 =	vmul.f32 v28, v55;
	v27 =	vadd.f32 v27, v42  }
0xa7: {  	v18 =	vld [tilespmem:s12+$0xFFFFFFF0];
	[tilespmem:s30+$0x10] =	vst v24  }
0xa8: {  	v62 =	vadd.f32 v28, v27;
	v27 =	vld [tilespmem:$0x1FFC0]  }
0xa9: {  	v22 =	vld [tilespmem:s12+$0x0]  }
0xaa: {  	v21 =	vand.u32 $0x7F, v21;
	v23 =	vld [tilespmem:s13+$0x0];
	v17 =	vadd.s32 v49, v36  }
0xab: {  	v13 =	vor.u32 v21, v13;
	v21 =	vld [tilespmem:s13+$0xFFFFFFF0]  }
0xac: {  	v36 =	vld [tilespmem:s14+$0xFFFFFFE0]  }
0xad: {  	v25 =	vld.idx.msk [tilespmem:v11+s0+$0x0], $0xffff  }
0xae: {  	v37 =	vld [tilespmem:s17+$0xFFFFFFE0]  }
0xaf: {  	v29 =	vmul.f32 v40, v32;
	v40 =	vld.idx.msk [tilespmem:v17+s0+$0x0], $0xffff  }
0xb0: {  	v28 =	vld.idx.msk [tilespmem:v27+s2+$0x0], $0xffff  }
0xb1: {  	v27 =	vld [tilespmem:$0x1FFD0]  }
0xb2: {  	v32 =	vld [tilespmem:s14+$0x0];
	v53 =	vmul.f32 v58, v8;
	v61 =	vmul.f32 v57, v6  }
0xb3: {  	v51 =	vld.idx.msk [tilespmem:v13+s0+$0x0], $0xffff  }
0xb4: {  	v35 =	vmul.f32 v44, v35;
	v33 =	vld [tilespmem:s14+$0xFFFFFFF0];
	v25 =	vmul.f32 v25, v36;
	v24 =	vadd.f32 v53, v61  }
0xb5: {  	v38 =	vmul.f32 v45, v38;
	v58 =	vmul.f32 v59, v23;
	v49 =	vld.idx.msk [tilespmem:v12+s0+$0x0], $0xffff  }
0xb6: {  	s31 =	simm.s32 $0x1A660;
	v57 =	vmul.f32 v60, v22;
	v43 =	vld.idx.msk [tilespmem:v14+s0+$0x0], $0xffff;
	v24 =	vadd.f32 v25, v24;
	v40 =	vmul.f32 v40, v37  }
0xb7: {  	v39 =	vmul.f32 v46, v39;
	v26 =	vadd.f32 v34, v29;
	v29 =	vadd.f32 v38, v35;
	v35 =	vld [tilespmem:s17+$0xFFFFFFF0];
	[tilespmem:s31+$0x10] =	vst v62  }
0xb8: {  	v60 =	vadd.f32 v58, v57;
	v25 =	vmul.f32 v51, v32;
	v42 =	vadd.f32 v40, v24;
	v24 =	vld [tilespmem:$0x1FFF0]  }
0xb9: {  	v38 =	vld.idx.msk [tilespmem:v27+s2+$0x0], $0xffff  }
0xba: {  	v27 =	vadd.f32 v41, v39;
	v39 =	vadd.f32 v25, v60;
	v25 =	vld [tilespmem:$0x1FFE0]  }
0xbb: {  	v34 =	vld [tilespmem:s17+$0x0]  }
0xbc: {  	v54 =	vmul.f32 v54, v18;
	v56 =	vmul.f32 v50, v21;
	v48 =	vld.idx.msk [tilespmem:v15+s0+$0x0], $0xffff;
	_ =	sdelay $0x1  }
0xbd: {  	v30 =	vld.idx.msk [tilespmem:v30+s2+$0x0], $0xffff;
	v59 =	vadd.f32 v56, v54;
	v61 =	vmul.f32 v49, v33  }
0xbe: {  	v31 =	vld.idx.msk [tilespmem:v31+s2+$0x0], $0xffff  }
0xbf: {  	v63 =	vadd.f32 v61, v59;
	v43 =	vmul.f32 v43, v35  }
0xc0: {  	s25 =	sshll.u32 s11, $0x1;
	v41 =	vmul.f32 v48, v34;
	v24 =	vld.idx.msk [tilespmem:v24+s2+$0x0], $0xffff  }
0xc1: {  	s10 =	simm.s32 $0xA0;
	s23 =	sadd.s32 s7, s25;
	s25 =	simm.s32 $0x40;
	v40 =	vadd.f32 v43, v63;
	v25 =	vld.idx.msk [tilespmem:v25+s2+$0x0], $0xffff  }
.LBB2_3:
0xc2: {  	v43 =	vld [tilespmem:s10+$0x10];
	[tilespmem:s18+$0xFFFFFFE0] =	vst v42;
	v39 =	vadd.f32 v41, v39;
	v30 =	vmul.f32 v30, v0;
	v0 =	vmov v36  }
0xc3: {  	s25 =	sadd.s32 $0x40, s25;
	v31 =	vmul.f32 v31, v2;
	v2 =	vmov v33;
	v36 =	vld [tilespmem:s10+$0xFFFFFFF0];
	[tilespmem:s18+$0xFFFFFFF0] =	vst v40  }
0xc4: {  	p0 =	slt.u32 s25, $0x30C0;
	v33 =	vld [tilespmem:s10+$0x0];
	[tilespmem:s18+$0x0] =	vst v39;
	v30 =	vadd.f32 v30, v26;
	v26 =	vmul.f32 v28, v1;
	v1 =	vmov v32  }
0xc5: {  	v32 =	vmul.f32 v38, v3;
	v31 =	vadd.f32 v31, v29;
	v3 =	vmov v37;
	v28 =	vld [tilespmem:s10+$0xFFFFFFE0]  }
0xc6: {  	v25 =	vmul.f32 v25, v4;
	v4 =	vmov v35;
	v29 =	vld.idx.msk [tilespmem:v19+s2+$0x0], $0xffff;
	v37 =	vadd.f32 v26, v27  }
0xc7: {  	v24 =	vmul.f32 v24, v5;
	v5 =	vmovc v34;
	v19 =	vshrl.u32 v43, $0xE;
	v26 =	vshrl.u32 v43, $0x8;
	v27 =	vld.idx.msk [tilespmem:v20+s2+$0x0], $0xffff  }
0xc8: {  	v34 =	vand.u32 $0x3FFF, v43;
	v19 =	vand.u32 $0x1, v19;
	v20 =	vand.u32 $0x80, v26;
	v26 =	vld.idx.msk [tilespmem:v9+s2+$0x0], $0xffff  }
0xc9: {  	v9 =	vshrl.u32 v36, $0xE;
	v35 =	vadd.s32 v34, v19;
	v20 =	vadd.s32 v34, v20;
	v38 =	vld.idx.msk [tilespmem:v16+s2+$0x0], $0xffff  }
0xca: {  	v40 =	vand.u32 $0x7F, v43;
	v16 =	vshrl.u32 v28, $0xE;
	v39 =	vand.u32 $0x7F80, v20;
	v41 =	vld.idx.msk [tilespmem:v7+s2+$0x0], $0xffff  }
0xcb: {  	s12 =	sadd.s32 $0x40, s12;
	v42 =	vshrl.u32 v36, $0x8;
	v7 =	vshrl.u32 v28, $0x8;
	v39 =	vor.u32 v40, v39;
	v40 =	vld.idx.msk [tilespmem:v10+s2+$0x0], $0xffff  }
0xcc: {  	v43 =	vand.u32 $0x1, v16;
	v10 =	vshrl.u32 v33, $0xE;
	v16 =	vshrl.u32 v33, $0x8;
	v44 =	vld [tilespmem:s12+$0x10]  }
0xcd: {  	v46 =	vand.u32 $0x1, v9;
	v47 =	vadd.s32 v19, v20;
	v45 =	vand.u32 $0x80, v7;
	v48 =	vld.idx.msk [tilespmem:v34+s0+$0x0], $0xffff  }
0xce: {  	s13 =	sadd.s32 $0x40, s13;
	v42 =	vand.u32 $0x80, v42;
	v49 =	vand.u32 $0x1, v10;
	v50 =	vand.u32 $0x80, v16;
	v51 =	vld.idx.msk [tilespmem:v35+s0+$0x0], $0xffff  }
0xcf: {  	v9 =	vand.u32 $0x3FFF, v36;
	v19 =	vand.u32 $0x3FFF, v28;
	v7 =	vand.u32 $0x3FFF, v33;
	v52 =	vld [tilespmem:s13+$0x10]  }
0xd0: {  	s14 =	sadd.s32 $0x40, s14;
	v20 =	vadd.s32 v19, v43;
	v45 =	vadd.s32 v19, v45;
	v16 =	vadd.s32 v9, v46;
	v53 =	vld.idx.msk [tilespmem:v39+s0+$0x0], $0xffff  }
0xd1: {  	v42 =	vadd.s32 v9, v42;
	v10 =	vadd.s32 v7, v49;
	v50 =	vadd.s32 v7, v50;
	v54 =	vld [tilespmem:s14+$0x10]  }
0xd2: {  	s17 =	sadd.s32 $0x40, s17;
	v56 =	vand.u32 $0x7F80, v42;
	v55 =	vand.u32 $0x7F80, v45;
	v57 =	vand.u32 $0x7F80, v50;
	v58 =	vld.idx.msk [tilespmem:v47+s0+$0x0], $0xffff  }
0xd3: {  	v36 =	vand.u32 $0x7F, v36;
	v28 =	vand.u32 $0x7F, v28;
	v33 =	vand.u32 $0x7F, v33;
	v59 =	vld [tilespmem:s17+$0x10]  }
0xd4: {  	v28 =	vor.u32 v28, v55;
	v48 =	vmul.f32 v48, v44;
	v60 =	vld.idx.msk [tilespmem:v19+s0+$0x0], $0xffff;
	v51 =	vmul.f32 v51, v52  }
0xd5: {  	v43 =	vadd.s32 v43, v45;
	v55 =	vor.u32 v36, v56;
	v56 =	vor.u32 v33, v57;
	v45 =	vld.idx.msk [tilespmem:v20+s0+$0x0], $0xffff  }
0xd6: {  	v46 =	vadd.s32 v46, v42;
	v33 =	vld.idx.msk [tilespmem:v16+s0+$0x0], $0xffff;
	v36 =	vadd.f32 v51, v48;
	v42 =	vmul.f32 v53, v54  }
0xd7: {  	v6 =	vmul.f32 v29, v6;
	v8 =	vmul.f32 v27, v8;
	v48 =	vadd.s32 v49, v50;
	v49 =	vld.idx.msk [tilespmem:v10+s0+$0x0], $0xffff  }
0xd8: {  	v18 =	vmul.f32 v26, v18;
	v50 =	vld.idx.msk [tilespmem:v9+s0+$0x0], $0xffff;
	v27 =	vadd.f32 v42, v36;
	v29 =	vmul.f32 v58, v59  }
0xd9: {  	v26 =	vadd.f32 v8, v6;
	v21 =	vmul.f32 v38, v21;
	v22 =	vmul.f32 v41, v22;
	v36 =	vld.idx.msk [tilespmem:v7+s0+$0x0], $0xffff  }
0xda: {  	v30 =	vadd.f32 v32, v30;
	v23 =	vmul.f32 v40, v23;
	v6 =	vld [tilespmem:s12+$0xFFFFFFE0];
	v27 =	vadd.f32 v29, v27  }
0xdb: {  	s18 =	sadd.s32 $0x40, s18;
	v29 =	vadd.f32 v21, v18;
	v21 =	vadd.f32 v25, v31;
	v8 =	vld [tilespmem:s13+$0xFFFFFFE0]  }
0xdc: {  	v18 =	vld [tilespmem:s12+$0xFFFFFFF0];
	[tilespmem:s18+$0x10] =	vst v27;
	v27 =	vadd.f32 v23, v22;
	v22 =	vadd.f32 v24, v37  }
0xdd: {  	v24 =	vld.idx.msk [tilespmem:v34+s2+$0x0], $0xffff;
	[tilespmem:s30+$0xFFFFFFE0] =	vst v30  }
0xde: {  	v25 =	vld.idx.msk [tilespmem:v35+s2+$0x0], $0xffff;
	[tilespmem:s30+$0xFFFFFFF0] =	vst v21  }
0xdf: {  	v23 =	vmul.f32 v60, v6;
	v21 =	vld [tilespmem:s13+$0xFFFFFFF0];
	[tilespmem:s30+$0x0] =	vst v22;
	s30 =	smov.u32 s31  }
0xe0: {  	v30 =	vmul.f32 v45, v8;
	v31 =	vld.idx.msk [tilespmem:v39+s2+$0x0], $0xffff  }
0xe1: {  	v32 =	vmul.f32 v50, v18;
	v22 =	vld [tilespmem:s12+$0x0]  }
0xe2: {  	v30 =	vadd.f32 v30, v23;
	v34 =	vld.idx.msk [tilespmem:v47+s2+$0x0], $0xffff  }
0xe3: {  	v23 =	vld [tilespmem:s13+$0x0]  }
0xe4: {  	v24 =	vmul.f32 v24, v44;
	v25 =	vmul.f32 v25, v52;
	v35 =	vld.idx.msk [tilespmem:v28+s0+$0x0], $0xffff  }
0xe5: {  	v33 =	vmul.f32 v33, v21;
	v38 =	vld.idx.msk [tilespmem:v55+s0+$0x0], $0xffff  }
0xe6: {  	v24 =	vadd.f32 v25, v24;
	v25 =	vmul.f32 v31, v54;
	v39 =	vld.idx.msk [tilespmem:v56+s0+$0x0], $0xffff;
	v37 =	vmul.f32 v36, v22  }
0xe7: {  	v31 =	vadd.f32 v33, v32;
	v36 =	vld [tilespmem:s14+$0xFFFFFFE0]  }
0xe8: {  	v24 =	vadd.f32 v25, v24;
	v25 =	vmul.f32 v34, v59;
	v33 =	vld [tilespmem:s14+$0xFFFFFFF0];
	v40 =	vmul.f32 v49, v23  }
0xe9: {  	v32 =	vld [tilespmem:s14+$0x0]  }
0xea: {  	v24 =	vadd.f32 v25, v24;
	v41 =	vld.idx.msk [tilespmem:v43+s0+$0x0], $0xffff;
	v40 =	vadd.f32 v40, v37  }
0xeb: {  	s31 =	sadd.s32 $0x40, s31;
	v25 =	vld.idx.msk [tilespmem:v46+s0+$0x0], $0xffff  }
0xec: {  	v34 =	vmul.f32 v35, v36;
	v44 =	vld.idx.msk [tilespmem:v48+s0+$0x0], $0xffff;
	[tilespmem:s31+$0x10] =	vst v24  }
0xed: {  	v37 =	vld [tilespmem:s17+$0xFFFFFFE0];
	v24 =	vmul.f32 v38, v33  }
0xee: {  	v42 =	vadd.f32 v34, v30;
	v35 =	vld [tilespmem:s17+$0xFFFFFFF0];
	v30 =	vmul.f32 v39, v32  }
0xef: {  	v24 =	vadd.f32 v24, v31;
	v34 =	vld [tilespmem:s17+$0x0]  }
0xf0: {  	v39 =	vadd.f32 v30, v40;
	v30 =	vld.idx.msk [tilespmem:v11+s2+$0x0], $0xffff;
	v11 =	vmov v28  }
.Ltmp2:
0xf1: {  	v31 =	vld.idx.msk [tilespmem:v12+s2+$0x0], $0xffff;
	v12 =	vmov v55;
	(pc) =	sbr.rel @p0 .LBB2_3-.Ltmp2, $4  }
0xf2: {  	v40 =	vmul.f32 v41, v37;
	v28 =	vld.idx.msk [tilespmem:v13+s2+$0x0], $0xffff;
	v13 =	vmov v56  }
0xf3: {  	v45 =	vmul.f32 v25, v35;
	v38 =	vld.idx.msk [tilespmem:v17+s2+$0x0], $0xffff;
	v17 =	vmov v43  }
0xf4: {  	v42 =	vadd.f32 v40, v42;
	v41 =	vmul.f32 v44, v34;
	v25 =	vld.idx.msk [tilespmem:v14+s2+$0x0], $0xffff;
	v14 =	vmov v46  }
0xf5: {  	s10 =	sadd.s32 $0x40, s10;
	v40 =	vadd.f32 v45, v24;
	v24 =	vld.idx.msk [tilespmem:v15+s2+$0x0], $0xffff;
	v15 =	vmov v48  }
0xf6: {  	_ =	sdelay $0x2  }
0xf7: {  	[tilespmem:s18+$0xFFFFFFE0] =	vst v42  }
0xf8: {  	v19 =	vld.idx.msk [tilespmem:v19+s2+$0x0], $0xffff  }
0xf9: {  	v20 =	vld.idx.msk [tilespmem:v20+s2+$0x0], $0xffff  }
0xfa: {  	v11 =	vld.idx.msk [tilespmem:v11+s2+$0x0], $0xffff  }
0xfb: {  	v39 =	vadd.f32 v41, v39;
	[tilespmem:s18+$0xFFFFFFF0] =	vst v40;
	v17 =	vld.idx.msk [tilespmem:v17+s2+$0x0], $0xffff  }
0xfc: {  	v9 =	vld.idx.msk [tilespmem:v9+s2+$0x0], $0xffff  }
0xfd: {  	[tilespmem:s18+$0x0] =	vst v39;
	v16 =	vld.idx.msk [tilespmem:v16+s2+$0x0], $0xffff  }
0xfe: {  	v0 =	vmul.f32 v30, v0;
	v2 =	vmul.f32 v31, v2;
	v7 =	vld.idx.msk [tilespmem:v7+s2+$0x0], $0xffff  }
0xff: {  	v1 =	vmul.f32 v28, v1;
	v3 =	vmul.f32 v38, v3;
	v10 =	vld.idx.msk [tilespmem:v10+s2+$0x0], $0xffff  }
0x100: {  	v12 =	vld.idx.msk [tilespmem:v12+s2+$0x0], $0xffff;
	v0 =	vadd.f32 v0, v26;
	v2 =	vadd.f32 v2, v29;
	v4 =	vmul.f32 v25, v4  }
0x101: {  	v13 =	vld.idx.msk [tilespmem:v13+s2+$0x0], $0xffff;
	v1 =	vadd.f32 v1, v27;
	v5 =	vmul.f32 v24, v5;
	v6 =	vmul.f32 v19, v6  }
0x102: {  	v14 =	vld.idx.msk [tilespmem:v14+s2+$0x0], $0xffff;
	v0 =	vadd.f32 v3, v0;
	v8 =	vmul.f32 v20, v8;
	v53 =	vmul.f32 v11, v36  }
0x103: {  	v51 =	vld.idx.msk [tilespmem:v15+s2+$0x0], $0xffff;
	v2 =	vadd.f32 v4, v2;
	v9 =	vmul.f32 v9, v18;
	v16 =	vmul.f32 v16, v21  }
0x104: {  	v6 =	vadd.f32 v8, v6;
	v7 =	vmul.f32 v7, v22;
	v50 =	vmul.f32 v10, v23  }
0x105: {  	p0 =	slt.u32 s23, $0x12C;
	v57 =	vmul.f32 v17, v37;
	v55 =	vmul.f32 v12, v33;
	v52 =	vadd.f32 v16, v9  }
0x106: {  	s10 =	sadd.s32 @p0 s16, s23;
	v56 =	vmul.f32 v13, v32;
	v54 =	vadd.f32 v50, v7;
	v6 =	vadd.f32 v53, v6  }
0x107: {  	s12 =	sshrl.u32 @p0 s10, $0x3;
	v1 =	vadd.f32 v5, v1;
	[tilespmem:s30+$0xFFFFFFE0] =	vst v0;
	v59 =	vmul.f32 v14, v35;
	v58 =	vadd.f32 v55, v52  }
0x108: {  	s13 =	sshll.u32 @p0 s10, $0x7;
	s12 =	smul.u32 @p0 $0x18800, s12;
	[tilespmem:s30+$0xFFFFFFF0] =	vst v2;
	v61 =	vmul.f32 v51, v34;
	v60 =	vadd.f32 v56, v54;
	v62 =	vadd.f32 v57, v6  }
0x109: {  	s13 =	sand.u32 @p0 $0x300, s13;
	[tilespmem:s30+$0x0] =	vst v1;
	v0 =	vadd.f32 v59, v58  }
0x10a: {  	s12 =	sor.u32 @p0 s13, s12;
	v63 =	vadd.f32 v61, v60;
	[tilespmem:s31+$0xFFFFFFE0] =	vst v62  }
0x10b: {  	s14 =	simm.s32 @p0 $0x400;
	s12 =	sshrl.u32 @p0 s12, $0x3;
	[tilespmem:s31+$0xFFFFFFF0] =	vst v0  }
0x10c: {  	s17 =	simm.s32 @p0 $0x17500;
	s13 =	simm.s32 @p0 $0x80;
	s12 =	sadd.s32 @p0 s6, s12;
	[tilespmem:s31+$0x0] =	vst v63  }
0x10d: {  	[hbm4b:s12+s13] =	stream.strided.scatter @p0 [tilespmem:s17], [sflag:$0x3], $0x3100, s14, s13, $0x38;
	[tilespmem:$0x1D700] =	vst v63  }
0x10e: {  	s12 =	sadd.s32 @!p0 s23, s9  }
0x10f: {  	s13 =	sshrl.u32 @!p0 s12, $0x3  }
0x110: {  	s12 =	sshll.u32 @!p0 s12, $0x7;
	s13 =	smul.u32 @!p0 $0x18800, s13  }
0x111: {  	s12 =	sand.u32 @!p0 $0x300, s12  }
0x112: {  	s12 =	sor.u32 @!p0 s12, s13  }
0x113: {  	s14 =	simm.s32 @!p0 $0x400;
	s12 =	sshrl.u32 @!p0 s12, $0x3  }
0x114: {  	s17 =	simm.s32 @!p0 $0x17500;
	s13 =	simm.s32 @!p0 $0x80;
	s12 =	sadd.s32 @!p0 s8, s12  }
0x115: {  	[hbm4b:s12+s13] =	stream.strided.scatter @!p0 [tilespmem:s17], [sflag:$0x3], $0x3100, s14, s13, $0x38;
	[tilespmem:$0x1D700] =	vst v63  }
0x116: {  	s10 =	sadd.s32 @p0 $0x1, s10;
	s12 =	sadd.s32 @!p0 s23, s15  }
0x117: {  	s13 =	smov.u32 s8;
	s12 =	smov.u32 @p0 s10  }
0x118: {  	s13 =	smov.u32 @p0 s6;
	s10 =	sshrl.u32 s12, $0x3  }
0x119: {  	p0 =	seq.s32 s11, $0x18;
	s12 =	sshll.u32 s12, $0x7;
	s10 =	smul.u32 $0x18800, s10  }
.Ltmp3:
0x11a: {  	s12 =	sand.u32 $0x380, s12;
	(pc) =	sbr.rel @p0 .LBB2_6-.Ltmp3, $4  }
0x11b: {  	s10 =	sor.u32 s12, s10  }
0x11c: {  	s10 =	sshrl.u32 s10, $0x3  }
0x11d: {  	s10 =	sadd.s32 s13, s10  }
0x11e: {  	[hbm4b:s10+s24] =	stream.strided.scatter [tilespmem:s29], [sflag:$0x4], $0x3100, s1, s24, $0x38;
	[tilespmem:$0x1D700] =	vst v63  }
0x11f: {  	p0 =	slt.u32 s23, $0x12A;
	s10 =	smov.u32 s19  }
0x120: {  	s10 =	smov.u32 @p0 s21  }
0x121: {  	s10 =	sadd.s32 s23, s10  }
0x122: {  	s12 =	sshll.u32 s10, $0xE;
	s10 =	sshll.u32 s10, $0x7  }
0x123: {  	s12 =	sand.u32 $0xFFFE0000, s12;
	s10 =	sand.u32 $0x300, s10  }
0x124: {  	s13 =	smov.u32 s4;
	s10 =	sor.u32 s10, s12;
	s12 =	smov.u32 s20  }
0x125: {  	s13 =	smov.u32 @p0 s3;
	s10 =	sshrl.u32 s10, $0x3;
	s12 =	smov.u32 @p0 s22  }
0x126: {  	s10 =	sadd.s32 s13, s10;
	s31 =	sadd.s32 s23, s12  }
0x127: {  	[tilespmem:s0], [sflag:$0x1] =	stream.strided.gather [hbm4b:s10+s24], $0x4000, s1, s24, $0x38;
	[tilespmem:$0x1D700] =	vst v63  }
0x128: {  	s12 =	sshll.u32 s31, $0xE;
	s10 =	sshll.u32 s31, $0x7  }
.Ltmp4:
0x129: {  	s12 =	sand.u32 $0xFFFE0000, s12;
	s10 =	sand.u32 $0x380, s10;
	(pc) =	sbr.rel .LBB2_2-.Ltmp4, $4  }
0x12a: {  	s10 =	sor.u32 s10, s12  }
0x12b: {  	s10 =	sshrl.u32 s10, $0x3  }
0x12c: {  	s11 =	sadd.s32 $0x1, s11;
	s10 =	sadd.s32 s13, s10  }
0x12d: {  	[tilespmem:s2], [sflag:$0x2] =	stream.strided.gather [hbm4b:s10+s24], $0x4000, s1, s24, $0x38;
	[tilespmem:$0x1D700] =	vst v63  }
.LBB2_7:
0x12e: {  	_ =	sfence.sel $0x180000  }
0x12f: {  	[bflag:$0x0] =	sbarrier.arrive $0xFFFF  }
0x130: {  	_ =	strace $0x9000004A  }
0x131: {  	s0 =	stileid.u32;
	[bflag:$0x2] =	sbarrier.arrive $0xFFFF  }
0x132: {  	p0 =	sne.s32 s0, $0x0;
	s0 =	rddreg [dreg:$0x1]  }
0x133: {  	s0 =	sadd.s32 @!p0 $0x100000, s0  }
0x134: {  	[sflag:s0] =	ssyncadd.tile.s32 @!p0 $0x1;
	_ =	shalt  }
.Lfunc_end2:
_tile_overlayer_lowered:
.L_overlay_start_2:
0x135: {  	(tag) =	ssettag $0x2  }
0x136: {  	s0 =	rddreg [dreg:$0x0];
	s2 =	stileid.u32  }
0x137: {  	s1 =	rddreg [dreg:$0x1];
	p0 =	sne.s32 s2, $0x0  }
0x138: {  	s3 =	rddreg [dreg:$0x2];
	[bflag:$0x3] =	sbarrier.arrive $0xFFFF;
	s2 =	simm.s32 @!p0 $0x1C05  }
0x139: {  	[timem:s3], [sflag:s2] =	dma.local @!p0 [hbm:s0], s1  }
0x13a: {  	s0 =	simm.s32 @!p0 $0x5  }
0x13b: {  	_ =	swait.ge @!p0 [sflag:s0], s1  }
0x13c: {  	s1 =	ssub.s32 @!p0 $0x0, s1;
	[sflag:s0] =	ssyncset.done @!p0 $0x0  }
0x13d: {  	[sflag:s0] =	ssyncadd.s32 @!p0 s1  }
0x13e: {  	[bflag:$0x3] =	sbarrier.arrive $0xFFFF  }
0x13f: {  	_ =	shalt  }

// kernel: sparse-core-data-format-call.cloned.1.call-start
scs
called_computation_lowered:
.L_overlay_start_0:
0x0: {  	s2 =	sld [smem:$0x3FD9]  }
0x1: {  	s3 =	sld [smem:$0x3FFE];
	_ =	sdelay $0x1  }
0x2: {  	s1 =	srdreg.scid  }
0x3: {  	s0 =	sand.u32 $0x1, s1  }
0x4: {  	s18 =	sshll.u32 s0, $0xA;
	s2 =	sadd.s32 s3, s2  }
0x5: {  	s2 =	sadd.s32 s2, s18  }
0x6: {  	[smem:$0x3FC5] =	sst s2  }
0x7: {  	_ = 	snop  }
0x8: {  	s2 =	sld [smem:$0x3FC9];
	(tm) =	ssettm $0x1  }
0x9: {  	s19 =	sld [smem:$0x3FFB];
	_ =	sdelay $0x3  }
0xa: {  	_ =	strace s19  }
0xb: {  	s3 =	sld [smem:$0x3FFC];
	_ =	sdelay $0x3  }
0xc: {  	_ =	strace s3  }
0xd: {  	s3 =	sld [smem:$0x3FFD];
	_ =	sdelay $0x3  }
0xe: {  	_ =	strace s3  }
0xf: {  	_ =	strace $0x8FFFFFFF  }
0x10: {  	s20 =	sld [smem:$0x3FDB];
	_ =	sdelay $0x1  }
0x11: {  	s4 =	simm.s32 $_scs_section_size  }
0x12: {  	s5 =	simm.s32 $_size__tile_overlayer_lowered;
	s6 =	simm.s32 $_tile_overlayer_lowered  }
0x13: {  	s23 =	simm.s32 $0x1BFF;
	s22 =	sshll.u32 s6, $0x1;
	s3 =	sadd.s32 s4, s20  }
0x14: {  	s7 =	simm.s32 $0x0;
	s21 =	sshll.u32 s5, $0x1;
	s5 =	sadd.s32 s22, s3  }
0x15: {  	[timem:s7], [sflag:s23] =	dma.local [hbm:s5], s21  }
0x16: {  	_ =	swait.ge [sflag:s23], s21  }
0x17: {  	s4 =	ssub.s32 $0x0, s21;
	[sflag:s23] =	ssyncset.done $0x0  }
0x18: {  	[sflag:s23] =	ssyncadd.s32 s4;
	_ =	sdelay $0x1  }
0x19: {  	s24 =	simm.s32 $0x1B8B  }
0x1a: {  	_ =	swait.ge [sflag:s24], $0x1  }
0x1b: {  	[sflag:s24] =	ssyncset.done $0x0  }
0x1c: {  	s26 =	simm.s32 $0x1B8E;
	s25 =	sld [smem:$0x3FFE];
	[sflag:s24] =	ssyncadd.s32 $0xFFFFFFFF  }
0x1d: {  	s27 =	simm.s32 $execute0_lowered;
	[smem:$0x3FD2] =	sst s26  }
0x1e: {  	s5 =	sshll.u32 s27, $0x1;
	_ =	strace $0x80000046;
	[dreg:$0x1] =	wrdreg $0xFFFFFFFF  }
0x1f: {  	s28 =	simm.s32 $_size_execute0_lowered;
	s3 =	sadd.s32 s3, s5;
	[dreg:$0x0] =	wrdreg $0x0  }
0x20: {  	s5 =	sshll.u32 s28, $0x1;
	[dreg:$0x2] =	wrdreg s3  }
0x21: {  	[dreg:$0x3] =	wrdreg s5  }
0x22: {  	[dreg:$0x4] =	wrdreg $0xC0  }
0x23: {  	_ =	task [dreg:s7], $0x5FFFF  }
0x24: {  	[dreg:$0x1] =	wrdreg $0xFFFFFFFF  }
0x25: {  	[dreg:$0x0] =	wrdreg $0x60  }
0x26: {  	[dreg:$0x2] =	wrdreg s2  }
0x27: {  	[dreg:$0x3] =	wrdreg s25  }
0x28: {  	[dreg:$0x4] =	wrdreg $0x9  }
0x29: {  	_ =	task.clear_ibuf [dreg:s7], $0x5FFFF;
	_ =	strace $0x90000046  }
0x2a: {  	s29 =	simm.s32 $0x9;
	_ =	strace $0x80000048  }
0x2b: {  	_ =	swait.ge [sflag:s29], $0x1  }
0x2c: {  	[sflag:s29] =	ssyncadd.s32 $0xFFFFFFFF  }
0x2d: {  	_ =	strace $0x90000048  }
0x2e: {  	_ =	sfence  }
0x2f: {  	s30 =	sld [smem:$0x0];
	_ =	sdelay $0x2  }
0x30: {  	s31 =	sshll.u32 s1, $0xD;
	s1 =	sshrl.u32 s1, $0x2  }
0x31: {  	s3 =	sand.u32 $0x4000, s31;
	s1 =	sadd.s32 s1, s30  }
0x32: {  	s0 =	sor.u32 s3, s0;
	s1 =	sshll.u32 s1, $0x11  }
0x33: {  	s0 =	sor.u32 s1, s0  }
0x34: {  	s0 =	sadd.s32 $0x8F2B, s0  }
0x35: {  	[sflag:s0] =	ssyncadd.remote.s32 $0x1  }
0x36: {  	_ =	sfence.sel $0xFFFF  }
0x37: {  	[dreg:$0x0] =	wrdreg $0xFFFFFFFF;
	(pc) =	sbr.abs _section_cstart, $3  }
0x38: {  	[dreg:$0x1] =	wrdreg $0xFFFFFFFF  }
0x39: {  	_ =	task.clear_ibuf [dreg:s7], $0x2FFFF;
	_ =	strace $0x9FFFFFFF  }
0x3a: {  	(tm) =	ssettm $0x7FFFFFFF  }
0x3b: {  	_ =	shalt  }
tec
execute0_lowered:
.L_overlay_start_1:
0x0: {  	(tag) =	ssettag $0x1  }
0x1: {  	s7 =	rddreg [dreg:$0x0]  }
0x2: {  	s1 =	rddreg [dreg:$0x1]  }
0x3: {  	s0 =	rddreg [dreg:$0x2];
	s2 =	srdreg.scid;
	_ =	strace $0x80000047  }
0x4: {  	s4 =	simm.s32 $0x1;
	s8 =	simm.s32 $0x2;
	s13 =	simm.s32 $0x0  }
0x5: {  	p0 =	por $0x0, $0x0;
	s10 =	simm.s32 $0x400;
	s14 =	simm.s32 $0x0  }
0x6: {  	s12 =	simm.s32 $0x0;
	s3 =	sshll.u32 s2, $0x4;
	s2 =	sadd.s32 $0x2400, s1  }
.Ltmp0:
0x7: {  	s1 =	stileid.u32;
	s3 =	sand.u32 $0x10, s3;
	(pc) =	sbr.rel .LBB1_1-.Ltmp0, $4  }
0x8: {  	[sflag:s4] =	ssyncpa.u1 $0x0;
	s5 =	sor.u32 s1, s3;
	s3 =	sand.u32 $0x3, s1  }
0x9: {  	[sflag:s8] =	ssyncpa.u1 $0x0;
	s5 =	sshrl.u32 s5, $0x2;
	s6 =	ssub.s32 $0x99, s3  }
0xa: {  	s11 =	smov.u32 s3;
	s6 =	sshrl.u32 s6, $0x2;
	s9 =	sshll.u32 s5, $0xB  }
0xb: {  	s7 =	sadd.s32 s7, s9;
	s8 =	sadd.s32 $0x1, s6;
	s9 =	simm.s32 $0x80  }
.LBB1_4:
0xc: {  	_ =	sdelay $0x3  }
0xd: {  	[tilespmem:v0+s16+$0xFFFFFFA0 ss:$0x1] =	vst.idx.msk $0xffff, v6  }
0xe: {  	v56 =	vld.idx.msk [tilespmem:v1+s17+$0x30 ss:$0x1], $0xffff;
	[tilespmem:v0+s16+$0xFFFFFFB0 ss:$0x1] =	vst.idx.msk $0xffff, v4  }
0xf: {  	v57 =	vld.idx.msk [tilespmem:v1+s17+$0xFFFFFFC0 ss:$0x1], $0xffff;
	[tilespmem:v0+s16+$0xFFFFFFC0 ss:$0x1] =	vst.idx.msk $0xffff, v2  }
0x10: {  	v58 =	vld.idx.msk [tilespmem:v1+s17+$0xFFFFFFD0 ss:$0x1], $0xffff;
	[tilespmem:v0+s16+$0xFFFFFFD0 ss:$0x1] =	vst.idx.msk $0xffff, v3  }
0x11: {  	v59 =	vld.idx.msk [tilespmem:v1+s17+$0xFFFFFFE0 ss:$0x1], $0xffff;
	[tilespmem:v0+s16+$0xFFFFFFE0 ss:$0x1] =	vst.idx.msk $0xffff, v5  }
0x12: {  	v60 =	vld.idx.msk [tilespmem:v1+s17+$0xFFFFFFF0 ss:$0x1], $0xffff;
	[tilespmem:v0+s16+$0xFFFFFFF0 ss:$0x1] =	vst.idx.msk $0xffff, v7  }
0x13: {  	v61 =	vld.idx.msk [tilespmem:v1+s17+$0x0 ss:$0x1], $0xffff;
	[tilespmem:v0+s17+$0x0 ss:$0x1] =	vst.idx.msk $0xffff, v56  }
0x14: {  	v62 =	vld.idx.msk [tilespmem:v1+s17+$0x10 ss:$0x1], $0xffff;
	[tilespmem:v0+s17+$0xFFFFFF90 ss:$0x1] =	vst.idx.msk $0xffff, v57  }
0x15: {  	v63 =	vld.idx.msk [tilespmem:v1+s17+$0x20 ss:$0x1], $0xffff;
	[tilespmem:v0+s17+$0xFFFFFFA0 ss:$0x1] =	vst.idx.msk $0xffff, v58  }
0x16: {  	[tilespmem:v0+s17+$0xFFFFFFB0 ss:$0x1] =	vst.idx.msk $0xffff, v59  }
0x17: {  	[tilespmem:v0+s17+$0xFFFFFFC0 ss:$0x1] =	vst.idx.msk $0xffff, v60  }
0x18: {  	s14 =	sshll.u32 s14, $0xE;
	s13 =	sshll.u32 s13, $0x4;
	[tilespmem:v0+s17+$0xFFFFFFD0 ss:$0x1] =	vst.idx.msk $0xffff, v61  }
0x19: {  	s13 =	sand.u32 $0x70, s13;
	s14 =	sadd.s32 s2, s14;
	[tilespmem:v0+s17+$0xFFFFFFE0 ss:$0x1] =	vst.idx.msk $0xffff, v62  }
0x1a: {  	s13 =	sadd.s32 s13, s14;
	[tilespmem:v0+s17+$0xFFFFFFF0 ss:$0x1] =	vst.idx.msk $0xffff, v63  }
0x1b: {  	[hbm4b:s13+s9] =	stream.strided.scatter [tilespmem:s15], [sflag:$0x2], $0x4000, s10, s9, $0x38;
	[tilespmem:$0x10000] =	vst v63  }
.LBB1_5:
0x1c: {  	s15 =	sadd.s32 $0x4, s11  }
0x1d: {  	p2 =	sgt.s32 s15, $0x95  }
0x1e: {  	s15 =	smov.u32 @p2 s3;
	p2 =	sne.s32 s12, s8  }
.Ltmp1:
0x1f: {  	p1 =	slt.u32 s12, $0x2;
	(pc) =	sbr.rel @!p2 .LBB1_6-.Ltmp1, $4  }
0x20: {  	s13 =	simm.s32 @!p1 $0x2  }
0x21: {  	s16 =	sadd.s32 $0x1, s12;
	s14 =	smov.u32 s11;
	_ =	swait.ge @!p1 [sflag:s13], $0x4000  }
0x22: {  	p0 =	por !p0, !p0;
	s12 =	smov.u32 s16;
	[sflag:s13] =	ssyncset.done @!p1 $0x0  }
0x23: {  	s11 =	smov.u32 s15;
	[sflag:s13] =	ssyncadd.s32 @!p1 $0xFFFFC000;
	s13 =	smov.u32 s5  }
.LBB1_1:
0x24: {  	p1 =	sge.u32 s12, s6  }
0x25: {  	s15 =	sxor.u32 @!p1 $0xFFFFFFFF, s12  }
0x26: {  	s31 =	sadd.s32 $0xFFFFFFFF, s12;
	s16 =	sshll.u32 @!p1 s11, $0xE;
	s15 =	sshll.u32 @!p1 s15, $0xE  }
0x27: {  	s17 =	simm.s32 @!p1 $0x0;
	s16 =	sadd.s32 @!p1 s16, s7;
	s15 =	sand.u32 @!p1 $0x4000, s15  }
0x28: {  	[tilespmem:s15], [sflag:$0x1] =	stream.linear.gather @!p1 [hbm4b:s16+s17], $0x4000, $0x38;
	[tilespmem:$0x10000] =	vst v63  }
0x29: {  	p1 =	sge.u32 s31, s6  }
.Ltmp2:
0x2a: {  	_ = 	snop;
	(pc) =	sbr.rel @p1 .LBB1_5-.Ltmp2, $1  }
0x2b: {  	_ =	sdelay $0x3  }
0x2c: {  	s15 =	simm.s32 $0x1  }
0x2d: {  	s15 =	simm.s32 @!p0 $0x0  }
0x2e: {  	s15 =	sshll.u32 s15, $0xE  }
0x2f: {  	s16 =	sor.u32 $0x40, s15  }
0x30: {  	v1 =	vmov s16;
	_ =	sdelay $0x1  }
0x31: {  	_ =	swait.ge [sflag:s4], $0x4000  }
0x32: {  	[sflag:s4] =	ssyncset.done $0x0  }
0x33: {  	[sflag:s4] =	ssyncadd.s32 $0xFFFFC000;
	s16 =	simm.s32 $0x0  }
0x34: {  	s15 =	sor.u32 $0x8070, s15;
	v7 =	vld.idx.msk [tilespmem:v1+s16+$0x30 ss:$0x1], $0xffff  }
0x35: {  	v0 =	vmov s15;
	v8 =	vld.idx.msk [tilespmem:v1+s16+$0xFFFFFFC0 ss:$0x1], $0xffff  }
0x36: {  	v6 =	vld.idx.msk [tilespmem:v1+s16+$0xFFFFFFD0 ss:$0x1], $0xffff  }
0x37: {  	v4 =	vld.idx.msk [tilespmem:v1+s16+$0xFFFFFFE0 ss:$0x1], $0xffff  }
0x38: {  	v2 =	vld.idx.msk [tilespmem:v1+s16+$0xFFFFFFF0 ss:$0x1], $0xffff  }
0x39: {  	s31 =	sshll.u32 s12, $0xE;
	v3 =	vld.idx.msk [tilespmem:v1+s16+$0x0 ss:$0x1], $0xffff  }
0x3a: {  	s15 =	sand.u32 $0x4000, s31;
	v5 =	vld.idx.msk [tilespmem:v1+s16+$0x10 ss:$0x1], $0xffff;
	[tilespmem:v0+s16+$0x0 ss:$0x1] =	vst.idx.msk $0xffff, v7  }
0x3b: {  	s17 =	simm.s32 $0x80;
	s18 =	simm.s32 $0x400;
	s15 =	sor.u32 $0x8000, s15;
	[tilespmem:v0+s16+$0xFFFFFF90 ss:$0x1] =	vst.idx.msk $0xffff, v8;
	v7 =	vld.idx.msk [tilespmem:v1+s16+$0x20 ss:$0x1], $0xffff  }
.LBB1_3:
0x3c: {  	p1 =	sne.s32 s18, $0xFE00;
	v8 =	vld.idx.msk [tilespmem:v1+s17+$0x30 ss:$0x1], $0xffff;
	[tilespmem:v0+s16+$0xFFFFFFA0 ss:$0x1] =	vst.idx.msk $0xffff, v6  }
0x3d: {  	v9 =	vld.idx.msk [tilespmem:v1+s17+$0xFFFFFFC0 ss:$0x1], $0xffff;
	[tilespmem:v0+s16+$0xFFFFFFB0 ss:$0x1] =	vst.idx.msk $0xffff, v4  }
0x3e: {  	v6 =	vld.idx.msk [tilespmem:v1+s17+$0xFFFFFFD0 ss:$0x1], $0xffff;
	[tilespmem:v0+s16+$0xFFFFFFC0 ss:$0x1] =	vst.idx.msk $0xffff, v2  }
.Ltmp3:
0x3f: {  	v4 =	vld.idx.msk [tilespmem:v1+s17+$0xFFFFFFE0 ss:$0x1], $0xffff;
	[tilespmem:v0+s16+$0xFFFFFFD0 ss:$0x1] =	vst.idx.msk $0xffff, v3;
	(pc) =	sbr.rel @p1 .LBB1_3-.Ltmp3, $4  }
0x40: {  	v2 =	vld.idx.msk [tilespmem:v1+s17+$0xFFFFFFF0 ss:$0x1], $0xffff;
	[tilespmem:v0+s16+$0xFFFFFFE0 ss:$0x1] =	vst.idx.msk $0xffff, v5  }
0x41: {  	v3 =	vld.idx.msk [tilespmem:v1+s17+$0x0 ss:$0x1], $0xffff;
	[tilespmem:v0+s16+$0xFFFFFFF0 ss:$0x1] =	vst.idx.msk $0xffff, v7;
	s16 =	smov.u32 s17  }
0x42: {  	v5 =	vld.idx.msk [tilespmem:v1+s16+$0x10 ss:$0x1], $0xffff;
	[tilespmem:v0+s16+$0x0 ss:$0x1] =	vst.idx.msk $0xffff, v8  }
0x43: {  	s17 =	sshra.s32 s18, $0x2;
	s18 =	sadd.s32 $0x200, s18;
	[tilespmem:v0+s16+$0xFFFFFF90 ss:$0x1] =	vst.idx.msk $0xffff, v9;
	v7 =	vld.idx.msk [tilespmem:v1+s16+$0x20 ss:$0x1], $0xffff  }
.Ltmp4:
0x44: {  	_ = 	snop;
	(pc) =	sbr.rel .LBB1_4-.Ltmp4, $1  }
0x45: {  	_ =	sdelay $0x3  }
.LBB1_6:
0x46: {  	_ =	sfence.sel $0x180000  }
0x47: {  	s2 =	simm.s32 $0x1;
	[bflag:$0x0] =	sbarrier.arrive $0xFFFF  }
0x48: {  	s31 =	simm.s32 $0x2;
	[sflag:s2] =	ssyncpa.u1 $0x1  }
0x49: {  	[sflag:s31] =	ssyncpa.u1 $0x1  }
0x4a: {  	p0 =	sne.s32 s1, $0x0;
	_ =	strace $0x90000047  }
0x4b: {  	s0 =	sadd.s32 @!p0 $0x100000, s0;
	[bflag:$0x2] =	sbarrier.arrive $0xFFFF  }
0x4c: {  	[sflag:s0] =	ssyncadd.tile.s32 @!p0 $0x1;
	_ =	shalt  }
.Lfunc_end1:
_tile_overlayer_lowered:
.L_overlay_start_2:
0x4d: {  	(tag) =	ssettag $0x2  }
0x4e: {  	s0 =	rddreg [dreg:$0x0];
	s2 =	stileid.u32  }
0x4f: {  	s1 =	rddreg [dreg:$0x1];
	p0 =	sne.s32 s2, $0x0  }
0x50: {  	s3 =	rddreg [dreg:$0x2];
	[bflag:$0x3] =	sbarrier.arrive $0xFFFF;
	s2 =	simm.s32 @!p0 $0x1C01  }
0x51: {  	[timem:s3], [sflag:s2] =	dma.local @!p0 [hbm:s0], s1  }
0x52: {  	s0 =	simm.s32 @!p0 $0x1  }
0x53: {  	_ =	swait.ge @!p0 [sflag:s0], s1  }
0x54: {  	s1 =	ssub.s32 @!p0 $0x0, s1;
	[sflag:s0] =	ssyncset.done @!p0 $0x0  }
0x55: {  	[sflag:s0] =	ssyncadd.s32 @!p0 s1  }
0x56: {  	[bflag:$0x3] =	sbarrier.arrive $0xFFFF  }
0x57: {  	_ =	shalt  }

</sc_bundles>
